<compile_context>
chip_gen: v7x
topology: tpu7x:2x2x1
jax: 0.10.2.dev20260603
libtpu: 0.0.44.dev20260713+nightly
codegen_flags: <defaults>
</compile_context>

<pallas_src>
import functools

import jax
import jax.numpy as jnp
from jax import lax
from jax.experimental import pallas as pl
from jax.experimental.pallas import tpu as pltpu
from jax.experimental.pallas import tpu_sc as plsc

EMBED = 64
NC = 2
NS = 16
NW = NC * NS

CHUNK = 128
LANES = 16
NBUF = 2


def _make_sc_gather(B):
    PW = B // NW
    G = PW // CHUNK

    mesh = plsc.VectorSubcoreMesh(core_axis_name="c", subcore_axis_name="s")

    @functools.partial(
        pl.kernel,
        mesh=mesh,
        out_type=jax.ShapeDtypeStruct((B, EMBED), jnp.float32),
        scratch_types=[
            pltpu.VMEM((1, CHUNK), jnp.int32),
            pltpu.VMEM((1, CHUNK), jnp.int32),
            pltpu.VMEM((CHUNK, 2 * EMBED), jnp.float32),
            pltpu.VMEM((CHUNK, 2 * EMBED), jnp.float32),
            pltpu.VMEM((CHUNK, EMBED), jnp.float32),
            pltpu.VMEM((CHUNK, EMBED), jnp.float32),
            pltpu.SemaphoreType.DMA,
            pltpu.SemaphoreType.DMA,
            pltpu.SemaphoreType.DMA,
            pltpu.SemaphoreType.DMA,
            pltpu.SemaphoreType.DMA,
            pltpu.SemaphoreType.DMA,
        ],
    )
    def k(idx_hbm, table_hbm, out_hbm,
          idx_v0, idx_v1, rows_v0, rows_v1, rt_v0, rt_v1,
          si0, si1, sg0, sg1, so0, so1):
        wid = lax.axis_index("s") * NC + lax.axis_index("c")
        idx_v = (idx_v0, idx_v1)
        rows_v = (rows_v0, rows_v1)
        rt_v = (rt_v0, rt_v1)
        sem_i = (si0, si1)
        sem_g = (sg0, sg1)
        sem_o = (so0, so1)

        def fire_gather(slot, c):
            pltpu.async_copy(
                table_hbm.at[idx_v[slot].at[0]], rows_v[slot], sem_g[slot])

        def wait_gather(slot):
            pltpu.make_async_copy(
                table_hbm.at[idx_v[slot].at[0]], rows_v[slot], sem_g[slot]
            ).wait()

        def repack_and_flush(slot, p):
            def repack(r4, carry):
                for dr in range(4):
                    r = r4 * 4 + dr
                    for cc in range(EMBED // LANES):
                        rt_v[slot][r, pl.ds(cc * LANES, LANES)] = (
                            rows_v[slot][r, pl.ds(cc * LANES, LANES)])
                return carry

            lax.fori_loop(0, CHUNK // 4, repack, 0)
            base = wid * PW + p * CHUNK
            pltpu.async_copy(
                rt_v[slot], out_hbm.at[pl.ds(base, CHUNK)], sem_o[slot])

        def wait_flush(slot):
            base = wid * PW
            pltpu.make_async_copy(
                rt_v[slot], out_hbm.at[pl.ds(base, CHUNK)], sem_o[slot]
            ).wait()

        for b in range(NBUF):
            pltpu.async_copy(idx_hbm.at[wid, b], idx_v[b], sem_i[b])

        def body(c2, carry):
            for b in range(NBUF):
                c = NBUF * c2 + b
                q = 1 - b
                pltpu.make_async_copy(
                    idx_hbm.at[wid, c], idx_v[b], sem_i[b]).wait()
                fire_gather(b, c)

                def handle_prev():
                    wait_gather(q)
                    repack_and_flush(q, c - 1)

                    @pl.when(c + 1 < G)
                    def _():
                        pltpu.async_copy(
                            idx_hbm.at[wid, c + 1], idx_v[q], sem_i[q])

                if b == 0:
                    @pl.when(c2 >= 1)
                    def _():
                        @pl.when(c2 >= 2)
                        def _():
                            wait_flush(q)
                        handle_prev()
                else:
                    @pl.when(c2 >= 1)
                    def _():
                        wait_flush(q)
                    handle_prev()
            return carry

        lax.fori_loop(0, G // NBUF, body, 0)

        qf = (G - 1) % NBUF
        wait_flush(qf)
        wait_gather(qf)
        repack_and_flush(qf, G - 1)
        wait_flush(1 - qf)
        wait_flush(qf)

    return k


def kernel(positions, table):
    batch, seq = positions.shape
    B = batch * seq
    idx = positions.reshape(NW, B // (NW * CHUNK), 1, CHUNK).astype(jnp.int32)
    table_pad = jnp.pad(table, ((0, 0), (0, EMBED)))
    out = _make_sc_gather(B)(idx, table_pad)
    return out.reshape(batch, seq, EMBED)

# --- scband reference (transcript-rebuilt; emitter-appended) ---
"""Pipeline reference for scband-constant-positional-embedding-65386582114510 (READ-ONLY COPY).

The authoritative reference and input builder live on the scoring server;
editing this copy changes nothing except your own understanding.
"""

import math
import jax, jax.numpy as jnp
import numpy as np

EMBED_DIM = 64
MAX_POS = 1024


def make_table(seq_len, embedding_dim):
    seq_len = seq_len + 1
    half_dim = embedding_dim // 2
    scale = math.log(10000) / (half_dim - 1)
    emb = jnp.exp(jnp.arange(half_dim, dtype=jnp.float32) * -scale)
    emb = jnp.arange(seq_len, dtype=jnp.float32)[:, None] * emb[None, :]
    emb = jnp.concatenate([jnp.sin(emb), jnp.cos(emb)], axis=1).reshape(seq_len, -1)
    if embedding_dim % 2:
        emb = jnp.concatenate([emb, jnp.zeros((seq_len, 1), dtype=jnp.float32)], axis=1)
    return emb


def setup_inputs(seed: int = 0) -> dict:
    key = jax.random.key(seed)
    positions = jax.random.randint(key, (16384, 200), 0, MAX_POS, dtype=jnp.int64 if jax.config.read('jax_enable_x64') else jnp.int32)
    table = make_table(MAX_POS, EMBED_DIM)
    return {"positions": positions, "table": table}


def reference(positions, table):
    batch_size, seq_len = positions.shape
    # positions are bounded below table size, so no buffer regrowth branch is taken
    out = jnp.take(table, positions.reshape(-1), axis=0)
    return out.reshape(batch_size, seq_len, -1)

if __name__ == "__main__":
    import jax
    _d = setup_inputs()
    print(jax.jit(kernel)(*tuple(_d.values())))

</pallas_src>

<mosaic_0001>
#map = affine_map<(d0, d1) -> (0, 0, 0, 0)>
#map1 = affine_map<(d0, d1) -> (0, 0)>
module attributes {stable_mosaic.version = 14 : i64} {
  func.func @k(%arg0: i32, %arg1: i32, %arg2: memref<32x800x1x128xi32, #tpu.memory_space<hbm>>, %arg3: memref<1025x128xf32, #tpu.memory_space<hbm>>, %arg4: memref<3276800x64xf32, #tpu.memory_space<hbm>>, %arg5: memref<1x128xi32, #tpu.memory_space<vmem>>, %arg6: memref<1x128xi32, #tpu.memory_space<vmem>>, %arg7: memref<128x128xf32, #tpu.memory_space<vmem>>, %arg8: memref<128x128xf32, #tpu.memory_space<vmem>>, %arg9: memref<128x64xf32, #tpu.memory_space<vmem>>, %arg10: memref<128x64xf32, #tpu.memory_space<vmem>>, %arg11: memref<!tpu.dma_semaphore, #tpu.memory_space<semaphore_mem>>, %arg12: memref<!tpu.dma_semaphore, #tpu.memory_space<semaphore_mem>>, %arg13: memref<!tpu.dma_semaphore, #tpu.memory_space<semaphore_mem>>, %arg14: memref<!tpu.dma_semaphore, #tpu.memory_space<semaphore_mem>>, %arg15: memref<!tpu.dma_semaphore, #tpu.memory_space<semaphore_mem>>, %arg16: memref<!tpu.dma_semaphore, #tpu.memory_space<semaphore_mem>>) attributes {dimension_semantics = [#tpu.dimension_semantics<core_parallel>, #tpu.dimension_semantics<subcore_parallel>], iteration_bounds = array<i64: 2, 16>, scalar_prefetch = 0 : i64, scratch_operands = 12 : i64, tpu.core_type = #tpu.core_type<sc_vector_subcore>, window_params = [{transform_indices = #map}, {transform_indices = #map1}, {transform_indices = #map1}]} {
    %mul3A = arith.constant 2 : i32
    %mul3A_0 = arith.muli %arg1, %mul3A : i32
    %add3A = arith.addi %mul3A_0, %arg0 : i32
    %dma_start3A = arith.constant 0 : i32
    %dma_start3A_1 = arith.constant 0 : i32
    %dma_start3A_2 = arith.constant 0 : i32
    %dma_start3A_3 = tpu.memref_slice %arg2[%add3A, %dma_start3A, %dma_start3A_1, %dma_start3A_2] : memref<32x800x1x128xi32, #tpu.memory_space<hbm>> -> memref<1x1x1x128xi32, #tpu.memory_space<hbm>>
    %dma_start3A_4 = tpu.memref_squeeze %dma_start3A_3 : memref<1x1x1x128xi32, #tpu.memory_space<hbm>> -> memref<1x128xi32, #tpu.memory_space<hbm>>
    %dma_start3A_5 = arith.constant 0 : i32
    %dma_start3A_6 = arith.constant 0 : i32
    %dma_start3A_7 = tpu.memref_slice %arg2[%add3A, %dma_start3A, %dma_start3A_5, %dma_start3A_6] : memref<32x800x1x128xi32, #tpu.memory_space<hbm>> -> memref<1x1x1x128xi32, #tpu.memory_space<hbm>>
    %dma_start3A_8 = tpu.memref_squeeze %dma_start3A_7 : memref<1x1x1x128xi32, #tpu.memory_space<hbm>> -> memref<1x128xi32, #tpu.memory_space<hbm>>
    tpu.enqueue_dma source(%dma_start3A_8 : memref<1x128xi32, #tpu.memory_space<hbm>>) target(%arg5 : memref<1x128xi32, #tpu.memory_space<vmem>>) target_semaphore(%arg11 : memref<!tpu.dma_semaphore, #tpu.memory_space<semaphore_mem>>)
    %dma_start3A_9 = arith.constant 1 : i32
    %dma_start3A_10 = arith.constant 0 : i32
    %dma_start3A_11 = arith.constant 0 : i32
    %dma_start3A_12 = tpu.memref_slice %arg2[%add3A, %dma_start3A_9, %dma_start3A_10, %dma_start3A_11] : memref<32x800x1x128xi32, #tpu.memory_space<hbm>> -> memref<1x1x1x128xi32, #tpu.memory_space<hbm>>
    %dma_start3A_13 = tpu.memref_squeeze %dma_start3A_12 : memref<1x1x1x128xi32, #tpu.memory_space<hbm>> -> memref<1x128xi32, #tpu.memory_space<hbm>>
    %dma_start3A_14 = arith.constant 0 : i32
    %dma_start3A_15 = arith.constant 0 : i32
    %dma_start3A_16 = tpu.memref_slice %arg2[%add3A, %dma_start3A_9, %dma_start3A_14, %dma_start3A_15] : memref<32x800x1x128xi32, #tpu.memory_space<hbm>> -> memref<1x1x1x128xi32, #tpu.memory_space<hbm>>
    %dma_start3A_17 = tpu.memref_squeeze %dma_start3A_16 : memref<1x1x1x128xi32, #tpu.memory_space<hbm>> -> memref<1x128xi32, #tpu.memory_space<hbm>>
    tpu.enqueue_dma source(%dma_start3A_17 : memref<1x128xi32, #tpu.memory_space<hbm>>) target(%arg6 : memref<1x128xi32, #tpu.memory_space<vmem>>) target_semaphore(%arg12 : memref<!tpu.dma_semaphore, #tpu.memory_space<semaphore_mem>>)
    %scan3A = arith.constant 0 : i32
    %scan3A_18 = arith.constant 0 : i32
    %scan3A_19 = arith.constant 400 : i32
    %scan3A_20 = arith.addi %scan3A_18, %scan3A_19 : i32
    %scan3A_21 = arith.constant 1 : i32
    scf.for %scan3A_61 = %scan3A_18 to %scan3A_20 step %scan3A_21  : i32 {
      %mul3A_62 = arith.constant 2 : i32
      %mul3A_63 = arith.muli %mul3A_62, %scan3A_61 : i32
      %add3A_64 = arith.constant 0 : i32
      %add3A_65 = arith.addi %mul3A_63, %add3A_64 : i32
      %dma_wait3A_66 = arith.constant 0 : i32
      %dma_wait3A_67 = arith.constant 0 : i32
      %dma_wait3A_68 = tpu.memref_slice %arg2[%add3A, %add3A_65, %dma_wait3A_66, %dma_wait3A_67] : memref<32x800x1x128xi32, #tpu.memory_space<hbm>> -> memref<1x1x1x128xi32, #tpu.memory_space<hbm>>
      %dma_wait3A_69 = tpu.memref_squeeze %dma_wait3A_68 : memref<1x1x1x128xi32, #tpu.memory_space<hbm>> -> memref<1x128xi32, #tpu.memory_space<hbm>>
      %dma_wait3A_70 = arith.constant 0 : i32
      %dma_wait3A_71 = arith.constant 0 : i32
      %dma_wait3A_72 = tpu.memref_slice %arg2[%add3A, %add3A_65, %dma_wait3A_70, %dma_wait3A_71] : memref<32x800x1x128xi32, #tpu.memory_space<hbm>> -> memref<1x1x1x128xi32, #tpu.memory_space<hbm>>
      %dma_wait3A_73 = tpu.memref_squeeze %dma_wait3A_72 : memref<1x1x1x128xi32, #tpu.memory_space<hbm>> -> memref<1x128xi32, #tpu.memory_space<hbm>>
      tpu.wait_dma2 semaphore(%arg11 : memref<!tpu.dma_semaphore, #tpu.memory_space<semaphore_mem>>) src(%dma_wait3A_73 : memref<1x128xi32, #tpu.memory_space<hbm>>) dst(%arg5 : memref<1x128xi32, #tpu.memory_space<vmem>>)
      %dma_start3A_74 = arith.constant 0 : i32
      %dma_start3A_75 = arith.constant 0 : i32
      %dma_start3A_76 = tpu.memref_slice %arg5[%dma_start3A_74, %dma_start3A_75] : memref<1x128xi32, #tpu.memory_space<vmem>> -> memref<1x128xi32, #tpu.memory_space<vmem>>
      %dma_start3A_77 = tpu.memref_squeeze %dma_start3A_76 : memref<1x128xi32, #tpu.memory_space<vmem>> -> memref<128xi32, #tpu.memory_space<vmem>>
      %dma_start3A_78 = arith.constant 0 : i32
      %dma_start3A_79 = arith.constant 0 : i32
      %dma_start3A_80 = tpu.memref_slice %arg3[%dma_start3A_78, %dma_start3A_79] : memref<1025x128xf32, #tpu.memory_space<hbm>> -> memref<1025x128xf32, #tpu.memory_space<hbm>>
      tpu.enqueue_indirect_dma source(%dma_start3A_80 : memref<1025x128xf32, #tpu.memory_space<hbm>>) target(%arg7 : memref<128x128xf32, #tpu.memory_space<vmem>>) offsets(%dma_start3A_77 : memref<128xi32, #tpu.memory_space<vmem>>) semaphore(%arg13 : memref<!tpu.dma_semaphore, #tpu.memory_space<semaphore_mem>>)
      %ge3A = arith.constant 1 : i32
      %ge3A_81 = arith.cmpi sge, %scan3A_61, %ge3A : i32
      %convert_element_type3A = arith.extui %ge3A_81 : i1 to i32
      %cond3A = arith.constant 0 : i32
      %cond3A_82 = arith.cmpi ne, %convert_element_type3A, %cond3A : i32
      scf.if %cond3A_82 {
        %ge3A_136 = arith.constant 2 : i32
        %ge3A_137 = arith.cmpi sge, %scan3A_61, %ge3A_136 : i32
        %convert_element_type3A_138 = arith.extui %ge3A_137 : i1 to i32
        %cond3A_139 = arith.constant 0 : i32
        %cond3A_140 = arith.cmpi ne, %convert_element_type3A_138, %cond3A_139 : i32
        scf.if %cond3A_140 {
          %mul3A_172 = arith.constant 102400 : i32
          %mul3A_173 = arith.muli %add3A, %mul3A_172 : i32
          %dma_wait3A_174 = arith.constant 0 : i32
          %dma_wait3A_175 = tpu.memref_slice %arg4[%mul3A_173, %dma_wait3A_174] : memref<3276800x64xf32, #tpu.memory_space<hbm>> -> memref<128x64xf32, #tpu.memory_space<hbm>>
          %dma_wait3A_176 = arith.constant 0 : i32
          %dma_wait3A_177 = tpu.memref_slice %arg4[%mul3A_173, %dma_wait3A_176] : memref<3276800x64xf32, #tpu.memory_space<hbm>> -> memref<128x64xf32, #tpu.memory_space<hbm>>
          tpu.wait_dma2 semaphore(%arg16 : memref<!tpu.dma_semaphore, #tpu.memory_space<semaphore_mem>>) src(%arg10 : memref<128x64xf32, #tpu.memory_space<vmem>>) dst(%dma_wait3A_177 : memref<128x64xf32, #tpu.memory_space<hbm>>)
        } else {
        }
        %dma_wait3A_141 = arith.constant 0 : i32
        %dma_wait3A_142 = arith.constant 0 : i32
        %dma_wait3A_143 = tpu.memref_slice %arg6[%dma_wait3A_141, %dma_wait3A_142] : memref<1x128xi32, #tpu.memory_space<vmem>> -> memref<1x128xi32, #tpu.memory_space<vmem>>
        %dma_wait3A_144 = tpu.memref_squeeze %dma_wait3A_143 : memref<1x128xi32, #tpu.memory_space<vmem>> -> memref<128xi32, #tpu.memory_space<vmem>>
        %dma_wait3A_145 = arith.constant 0 : i32
        %dma_wait3A_146 = arith.constant 0 : i32
        %dma_wait3A_147 = tpu.memref_slice %arg3[%dma_wait3A_145, %dma_wait3A_146] : memref<1025x128xf32, #tpu.memory_space<hbm>> -> memref<1025x128xf32, #tpu.memory_space<hbm>>
        tpu.wait_indirect_dma semaphore(%arg14 : memref<!tpu.dma_semaphore, #tpu.memory_space<semaphore_mem>>) src(%dma_wait3A_147 : memref<1025x128xf32, #tpu.memory_space<hbm>>) dst(%arg8 : memref<128x128xf32, #tpu.memory_space<vmem>>)
        %sub3A_148 = arith.constant 1 : i32
        %sub3A_149 = arith.subi %add3A_65, %sub3A_148 : i32
        %scan3A_150 = arith.constant 0 : i32
        %scan3A_151 = arith.constant 0 : i32
        %scan3A_152 = arith.constant 32 : i32
        %scan3A_153 = arith.addi %scan3A_151, %scan3A_152 : i32
        %scan3A_154 = arith.constant 1 : i32
        scf.for %scan3A_172 = %scan3A_151 to %scan3A_153 step %scan3A_154  : i32 {
          %mul3A_173 = arith.constant 4 : i32
          %mul3A_174 = arith.muli %scan3A_172, %mul3A_173 : i32
          %add3A_175 = arith.constant 0 : i32
          %add3A_176 = arith.addi %mul3A_174, %add3A_175 : i32
          %get3A = arith.index_cast %add3A_176 : i32 to index
          %get3A_177 = arith.constant 0 : index
          %get3A_178 = tpu.vector_load %arg8[%get3A, %get3A_177] {strides = array<i32>} : memref<128x128xf32, #tpu.memory_space<vmem>>, vector<1x16xf32>,
          %get3A_179 = vector.shape_cast %get3A_178 : vector<1x16xf32> to vector<16xf32>
          %swap3A = arith.index_cast %add3A_176 : i32 to index
          %swap3A_180 = arith.constant 0 : index
          %swap3A_181 = tpu.vector_load %arg10[%swap3A, %swap3A_180] {strides = array<i32>} : memref<128x64xf32, #tpu.memory_space<vmem>>, vector<1x16xf32>,
          %swap3A_182 = vector.shape_cast %swap3A_181 : vector<1x16xf32> to vector<16xf32>
          %swap3A_183 = vector.shape_cast %get3A_179 : vector<16xf32> to vector<1x16xf32>
          tpu.vector_store %arg10[%swap3A, %swap3A_180], %swap3A_183 {strides = array<i32>} : memref<128x64xf32, #tpu.memory_space<vmem>>, vector<1x16xf32>,
          %get3A_184 = arith.index_cast %add3A_176 : i32 to index
          %get3A_185 = arith.constant 16 : index
          %get3A_186 = tpu.vector_load %arg8[%get3A_184, %get3A_185] {strides = array<i32>} : memref<128x128xf32, #tpu.memory_space<vmem>>, vector<1x16xf32>,
          %get3A_187 = vector.shape_cast %get3A_186 : vector<1x16xf32> to vector<16xf32>
          %swap3A_188 = arith.index_cast %add3A_176 : i32 to index
          %swap3A_189 = arith.constant 16 : index
          %swap3A_190 = tpu.vector_load %arg10[%swap3A_188, %swap3A_189] {strides = array<i32>} : memref<128x64xf32, #tpu.memory_space<vmem>>, vector<1x16xf32>,
          %swap3A_191 = vector.shape_cast %swap3A_190 : vector<1x16xf32> to vector<16xf32>
          %swap3A_192 = vector.shape_cast %get3A_187 : vector<16xf32> to vector<1x16xf32>
          tpu.vector_store %arg10[%swap3A_188, %swap3A_189], %swap3A_192 {strides = array<i32>} : memref<128x64xf32, #tpu.memory_space<vmem>>, vector<1x16xf32>,
          %get3A_193 = arith.index_cast %add3A_176 : i32 to index
          %get3A_194 = arith.constant 32 : index
          %get3A_195 = tpu.vector_load %arg8[%get3A_193, %get3A_194] {strides = array<i32>} : memref<128x128xf32, #tpu.memory_space<vmem>>, vector<1x16xf32>,
          %get3A_196 = vector.shape_cast %get3A_195 : vector<1x16xf32> to vector<16xf32>
          %swap3A_197 = arith.index_cast %add3A_176 : i32 to index
          %swap3A_198 = arith.constant 32 : index
          %swap3A_199 = tpu.vector_load %arg10[%swap3A_197, %swap3A_198] {strides = array<i32>} : memref<128x64xf32, #tpu.memory_space<vmem>>, vector<1x16xf32>,
          %swap3A_200 = vector.shape_cast %swap3A_199 : vector<1x16xf32> to vector<16xf32>
          %swap3A_201 = vector.shape_cast %get3A_196 : vector<16xf32> to vector<1x16xf32>
          tpu.vector_store %arg10[%swap3A_197, %swap3A_198], %swap3A_201 {strides = array<i32>} : memref<128x64xf32, #tpu.memory_space<vmem>>, vector<1x16xf32>,
          %get3A_202 = arith.index_cast %add3A_176 : i32 to index
          %get3A_203 = arith.constant 48 : index
          %get3A_204 = tpu.vector_load %arg8[%get3A_202, %get3A_203] {strides = array<i32>} : memref<128x128xf32, #tpu.memory_space<vmem>>, vector<1x16xf32>,
          %get3A_205 = vector.shape_cast %get3A_204 : vector<1x16xf32> to vector<16xf32>
          %swap3A_206 = arith.index_cast %add3A_176 : i32 to index
          %swap3A_207 = arith.constant 48 : index
          %swap3A_208 = tpu.vector_load %arg10[%swap3A_206, %swap3A_207] {strides = array<i32>} : memref<128x64xf32, #tpu.memory_space<vmem>>, vector<1x16xf32>,
          %swap3A_209 = vector.shape_cast %swap3A_208 : vector<1x16xf32> to vector<16xf32>
          %swap3A_210 = vector.shape_cast %get3A_205 : vector<16xf32> to vector<1x16xf32>
          tpu.vector_store %arg10[%swap3A_206, %swap3A_207], %swap3A_210 {strides = array<i32>} : memref<128x64xf32, #tpu.memory_space<vmem>>, vector<1x16xf32>,
          %mul3A_211 = arith.constant 4 : i32
          %mul3A_212 = arith.muli %scan3A_172, %mul3A_211 : i32
          %add3A_213 = arith.constant 1 : i32
          %add3A_214 = arith.addi %mul3A_212, %add3A_213 : i32
          %get3A_215 = arith.index_cast %add3A_214 : i32 to index
          %get3A_216 = arith.constant 0 : index
          %get3A_217 = tpu.vector_load %arg8[%get3A_215, %get3A_216] {strides = array<i32>} : memref<128x128xf32, #tpu.memory_space<vmem>>, vector<1x16xf32>,
          %get3A_218 = vector.shape_cast %get3A_217 : vector<1x16xf32> to vector<16xf32>
          %swap3A_219 = arith.index_cast %add3A_214 : i32 to index
          %swap3A_220 = arith.constant 0 : index
          %swap3A_221 = tpu.vector_load %arg10[%swap3A_219, %swap3A_220] {strides = array<i32>} : memref<128x64xf32, #tpu.memory_space<vmem>>, vector<1x16xf32>,
          %swap3A_222 = vector.shape_cast %swap3A_221 : vector<1x16xf32> to vector<16xf32>
          %swap3A_223 = vector.shape_cast %get3A_218 : vector<16xf32> to vector<1x16xf32>
          tpu.vector_store %arg10[%swap3A_219, %swap3A_220], %swap3A_223 {strides = array<i32>} : memref<128x64xf32, #tpu.memory_space<vmem>>, vector<1x16xf32>,
          %get3A_224 = arith.index_cast %add3A_214 : i32 to index
          %get3A_225 = arith.constant 16 : index
          %get3A_226 = tpu.vector_load %arg8[%get3A_224, %get3A_225] {strides = array<i32>} : memref<128x128xf32, #tpu.memory_space<vmem>>, vector<1x16xf32>,
          %get3A_227 = vector.shape_cast %get3A_226 : vector<1x16xf32> to vector<16xf32>
          %swap3A_228 = arith.index_cast %add3A_214 : i32 to index
          %swap3A_229 = arith.constant 16 : index
          %swap3A_230 = tpu.vector_load %arg10[%swap3A_228, %swap3A_229] {strides = array<i32>} : memref<128x64xf32, #tpu.memory_space<vmem>>, vector<1x16xf32>,
          %swap3A_231 = vector.shape_cast %swap3A_230 : vector<1x16xf32> to vector<16xf32>
          %swap3A_232 = vector.shape_cast %get3A_227 : vector<16xf32> to vector<1x16xf32>
          tpu.vector_store %arg10[%swap3A_228, %swap3A_229], %swap3A_232 {strides = array<i32>} : memref<128x64xf32, #tpu.memory_space<vmem>>, vector<1x16xf32>,
          %get3A_233 = arith.index_cast %add3A_214 : i32 to index
          %get3A_234 = arith.constant 32 : index
          %get3A_235 = tpu.vector_load %arg8[%get3A_233, %get3A_234] {strides = array<i32>} : memref<128x128xf32, #tpu.memory_space<vmem>>, vector<1x16xf32>,
          %get3A_236 = vector.shape_cast %get3A_235 : vector<1x16xf32> to vector<16xf32>
          %swap3A_237 = arith.index_cast %add3A_214 : i32 to index
          %swap3A_238 = arith.constant 32 : index
          %swap3A_239 = tpu.vector_load %arg10[%swap3A_237, %swap3A_238] {strides = array<i32>} : memref<128x64xf32, #tpu.memory_space<vmem>>, vector<1x16xf32>,
          %swap3A_240 = vector.shape_cast %swap3A_239 : vector<1x16xf32> to vector<16xf32>
          %swap3A_241 = vector.shape_cast %get3A_236 : vector<16xf32> to vector<1x16xf32>
          tpu.vector_store %arg10[%swap3A_237, %swap3A_238], %swap3A_241 {strides = array<i32>} : memref<128x64xf32, #tpu.memory_space<vmem>>, vector<1x16xf32>,
          %get3A_242 = arith.index_cast %add3A_214 : i32 to index
          %get3A_243 = arith.constant 48 : index
          %get3A_244 = tpu.vector_load %arg8[%get3A_242, %get3A_243] {strides = array<i32>} : memref<128x128xf32, #tpu.memory_space<vmem>>, vector<1x16xf32>,
          %get3A_245 = vector.shape_cast %get3A_244 : vector<1x16xf32> to vector<16xf32>
          %swap3A_246 = arith.index_cast %add3A_214 : i32 to index
          %swap3A_247 = arith.constant 48 : index
          %swap3A_248 = tpu.vector_load %arg10[%swap3A_246, %swap3A_247] {strides = array<i32>} : memref<128x64xf32, #tpu.memory_space<vmem>>, vector<1x16xf32>,
          %swap3A_249 = vector.shape_cast %swap3A_248 : vector<1x16xf32> to vector<16xf32>
          %swap3A_250 = vector.shape_cast %get3A_245 : vector<16xf32> to vector<1x16xf32>
          tpu.vector_store %arg10[%swap3A_246, %swap3A_247], %swap3A_250 {strides = array<i32>} : memref<128x64xf32, #tpu.memory_space<vmem>>, vector<1x16xf32>,
          %mul3A_251 = arith.constant 4 : i32
          %mul3A_252 = arith.muli %scan3A_172, %mul3A_251 : i32
          %add3A_253 = arith.constant 2 : i32
          %add3A_254 = arith.addi %mul3A_252, %add3A_253 : i32
          %get3A_255 = arith.index_cast %add3A_254 : i32 to index
          %get3A_256 = arith.constant 0 : index
          %get3A_257 = tpu.vector_load %arg8[%get3A_255, %get3A_256] {strides = array<i32>} : memref<128x128xf32, #tpu.memory_space<vmem>>, vector<1x16xf32>,
          %get3A_258 = vector.shape_cast %get3A_257 : vector<1x16xf32> to vector<16xf32>
          %swap3A_259 = arith.index_cast %add3A_254 : i32 to index
          %swap3A_260 = arith.constant 0 : index
          %swap3A_261 = tpu.vector_load %arg10[%swap3A_259, %swap3A_260] {strides = array<i32>} : memref<128x64xf32, #tpu.memory_space<vmem>>, vector<1x16xf32>,
          %swap3A_262 = vector.shape_cast %swap3A_261 : vector<1x16xf32> to vector<16xf32>
          %swap3A_263 = vector.shape_cast %get3A_258 : vector<16xf32> to vector<1x16xf32>
          tpu.vector_store %arg10[%swap3A_259, %swap3A_260], %swap3A_263 {strides = array<i32>} : memref<128x64xf32, #tpu.memory_space<vmem>>, vector<1x16xf32>,
          %get3A_264 = arith.index_cast %add3A_254 : i32 to index
          %get3A_265 = arith.constant 16 : index
          %get3A_266 = tpu.vector_load %arg8[%get3A_264, %get3A_265] {strides = array<i32>} : memref<128x128xf32, #tpu.memory_space<vmem>>, vector<1x16xf32>,
          %get3A_267 = vector.shape_cast %get3A_266 : vector<1x16xf32> to vector<16xf32>
          %swap3A_268 = arith.index_cast %add3A_254 : i32 to index
          %swap3A_269 = arith.constant 16 : index
          %swap3A_270 = tpu.vector_load %arg10[%swap3A_268, %swap3A_269] {strides = array<i32>} : memref<128x64xf32, #tpu.memory_space<vmem>>, vector<1x16xf32>,
          %swap3A_271 = vector.shape_cast %swap3A_270 : vector<1x16xf32> to vector<16xf32>
          %swap3A_272 = vector.shape_cast %get3A_267 : vector<16xf32> to vector<1x16xf32>
          tpu.vector_store %arg10[%swap3A_268, %swap3A_269], %swap3A_272 {strides = array<i32>} : memref<128x64xf32, #tpu.memory_space<vmem>>, vector<1x16xf32>,
          %get3A_273 = arith.index_cast %add3A_254 : i32 to index
          %get3A_274 = arith.constant 32 : index
          %get3A_275 = tpu.vector_load %arg8[%get3A_273, %get3A_274] {strides = array<i32>} : memref<128x128xf32, #tpu.memory_space<vmem>>, vector<1x16xf32>,
          %get3A_276 = vector.shape_cast %get3A_275 : vector<1x16xf32> to vector<16xf32>
          %swap3A_277 = arith.index_cast %add3A_254 : i32 to index
          %swap3A_278 = arith.constant 32 : index
          %swap3A_279 = tpu.vector_load %arg10[%swap3A_277, %swap3A_278] {strides = array<i32>} : memref<128x64xf32, #tpu.memory_space<vmem>>, vector<1x16xf32>,
          %swap3A_280 = vector.shape_cast %swap3A_279 : vector<1x16xf32> to vector<16xf32>
          %swap3A_281 = vector.shape_cast %get3A_276 : vector<16xf32> to vector<1x16xf32>
          tpu.vector_store %arg10[%swap3A_277, %swap3A_278], %swap3A_281 {strides = array<i32>} : memref<128x64xf32, #tpu.memory_space<vmem>>, vector<1x16xf32>,
          %get3A_282 = arith.index_cast %add3A_254 : i32 to index
          %get3A_283 = arith.constant 48 : index
          %get3A_284 = tpu.vector_load %arg8[%get3A_282, %get3A_283] {strides = array<i32>} : memref<128x128xf32, #tpu.memory_space<vmem>>, vector<1x16xf32>,
          %get3A_285 = vector.shape_cast %get3A_284 : vector<1x16xf32> to vector<16xf32>
          %swap3A_286 = arith.index_cast %add3A_254 : i32 to index
          %swap3A_287 = arith.constant 48 : index
          %swap3A_288 = tpu.vector_load %arg10[%swap3A_286, %swap3A_287] {strides = array<i32>} : memref<128x64xf32, #tpu.memory_space<vmem>>, vector<1x16xf32>,
          %swap3A_289 = vector.shape_cast %swap3A_288 : vector<1x16xf32> to vector<16xf32>
          %swap3A_290 = vector.shape_cast %get3A_285 : vector<16xf32> to vector<1x16xf32>
          tpu.vector_store %arg10[%swap3A_286, %swap3A_287], %swap3A_290 {strides = array<i32>} : memref<128x64xf32, #tpu.memory_space<vmem>>, vector<1x16xf32>,
          %mul3A_291 = arith.constant 4 : i32
          %mul3A_292 = arith.muli %scan3A_172, %mul3A_291 : i32
          %add3A_293 = arith.constant 3 : i32
          %add3A_294 = arith.addi %mul3A_292, %add3A_293 : i32
          %get3A_295 = arith.index_cast %add3A_294 : i32 to index
          %get3A_296 = arith.constant 0 : index
          %get3A_297 = tpu.vector_load %arg8[%get3A_295, %get3A_296] {strides = array<i32>} : memref<128x128xf32, #tpu.memory_space<vmem>>, vector<1x16xf32>,
          %get3A_298 = vector.shape_cast %get3A_297 : vector<1x16xf32> to vector<16xf32>
          %swap3A_299 = arith.index_cast %add3A_294 : i32 to index
          %swap3A_300 = arith.constant 0 : index
          %swap3A_301 = tpu.vector_load %arg10[%swap3A_299, %swap3A_300] {strides = array<i32>} : memref<128x64xf32, #tpu.memory_space<vmem>>, vector<1x16xf32>,
          %swap3A_302 = vector.shape_cast %swap3A_301 : vector<1x16xf32> to vector<16xf32>
          %swap3A_303 = vector.shape_cast %get3A_298 : vector<16xf32> to vector<1x16xf32>
          tpu.vector_store %arg10[%swap3A_299, %swap3A_300], %swap3A_303 {strides = array<i32>} : memref<128x64xf32, #tpu.memory_space<vmem>>, vector<1x16xf32>,
          %get3A_304 = arith.index_cast %add3A_294 : i32 to index
          %get3A_305 = arith.constant 16 : index
          %get3A_306 = tpu.vector_load %arg8[%get3A_304, %get3A_305] {strides = array<i32>} : memref<128x128xf32, #tpu.memory_space<vmem>>, vector<1x16xf32>,
          %get3A_307 = vector.shape_cast %get3A_306 : vector<1x16xf32> to vector<16xf32>
          %swap3A_308 = arith.index_cast %add3A_294 : i32 to index
          %swap3A_309 = arith.constant 16 : index
          %swap3A_310 = tpu.vector_load %arg10[%swap3A_308, %swap3A_309] {strides = array<i32>} : memref<128x64xf32, #tpu.memory_space<vmem>>, vector<1x16xf32>,
          %swap3A_311 = vector.shape_cast %swap3A_310 : vector<1x16xf32> to vector<16xf32>
          %swap3A_312 = vector.shape_cast %get3A_307 : vector<16xf32> to vector<1x16xf32>
          tpu.vector_store %arg10[%swap3A_308, %swap3A_309], %swap3A_312 {strides = array<i32>} : memref<128x64xf32, #tpu.memory_space<vmem>>, vector<1x16xf32>,
          %get3A_313 = arith.index_cast %add3A_294 : i32 to index
          %get3A_314 = arith.constant 32 : index
          %get3A_315 = tpu.vector_load %arg8[%get3A_313, %get3A_314] {strides = array<i32>} : memref<128x128xf32, #tpu.memory_space<vmem>>, vector<1x16xf32>,
          %get3A_316 = vector.shape_cast %get3A_315 : vector<1x16xf32> to vector<16xf32>
          %swap3A_317 = arith.index_cast %add3A_294 : i32 to index
          %swap3A_318 = arith.constant 32 : index
          %swap3A_319 = tpu.vector_load %arg10[%swap3A_317, %swap3A_318] {strides = array<i32>} : memref<128x64xf32, #tpu.memory_space<vmem>>, vector<1x16xf32>,
          %swap3A_320 = vector.shape_cast %swap3A_319 : vector<1x16xf32> to vector<16xf32>
          %swap3A_321 = vector.shape_cast %get3A_316 : vector<16xf32> to vector<1x16xf32>
          tpu.vector_store %arg10[%swap3A_317, %swap3A_318], %swap3A_321 {strides = array<i32>} : memref<128x64xf32, #tpu.memory_space<vmem>>, vector<1x16xf32>,
          %get3A_322 = arith.index_cast %add3A_294 : i32 to index
          %get3A_323 = arith.constant 48 : index
          %get3A_324 = tpu.vector_load %arg8[%get3A_322, %get3A_323] {strides = array<i32>} : memref<128x128xf32, #tpu.memory_space<vmem>>, vector<1x16xf32>,
          %get3A_325 = vector.shape_cast %get3A_324 : vector<1x16xf32> to vector<16xf32>
          %swap3A_326 = arith.index_cast %add3A_294 : i32 to index
          %swap3A_327 = arith.constant 48 : index
          %swap3A_328 = tpu.vector_load %arg10[%swap3A_326, %swap3A_327] {strides = array<i32>} : memref<128x64xf32, #tpu.memory_space<vmem>>, vector<1x16xf32>,
          %swap3A_329 = vector.shape_cast %swap3A_328 : vector<1x16xf32> to vector<16xf32>
          %swap3A_330 = vector.shape_cast %get3A_325 : vector<16xf32> to vector<1x16xf32>
          tpu.vector_store %arg10[%swap3A_326, %swap3A_327], %swap3A_330 {strides = array<i32>} : memref<128x64xf32, #tpu.memory_space<vmem>>, vector<1x16xf32>,
        }
        %scan3A_155 = arith.constant 32 : i32
        %mul3A_156 = arith.constant 102400 : i32
        %mul3A_157 = arith.muli %add3A, %mul3A_156 : i32
        %mul3A_158 = arith.constant 128 : i32
        %mul3A_159 = arith.muli %sub3A_149, %mul3A_158 : i32
        %add3A_160 = arith.addi %mul3A_157, %mul3A_159 : i32
        %dma_start3A_161 = arith.constant 0 : i32
        %dma_start3A_162 = tpu.memref_slice %arg4[%add3A_160, %dma_start3A_161] : memref<3276800x64xf32, #tpu.memory_space<hbm>> -> memref<128x64xf32, #tpu.memory_space<hbm>>
        %dma_start3A_163 = arith.constant 0 : i32
        %dma_start3A_164 = tpu.memref_slice %arg4[%add3A_160, %dma_start3A_163] : memref<3276800x64xf32, #tpu.memory_space<hbm>> -> memref<128x64xf32, #tpu.memory_space<hbm>>
        tpu.enqueue_dma source(%arg10 : memref<128x64xf32, #tpu.memory_space<vmem>>) target(%dma_start3A_164 : memref<128x64xf32, #tpu.memory_space<hbm>>) target_semaphore(%arg16 : memref<!tpu.dma_semaphore, #tpu.memory_space<semaphore_mem>>)
        %add3A_165 = arith.constant 1 : i32
        %add3A_166 = arith.addi %add3A_65, %add3A_165 : i32
        %lt3A_167 = arith.constant 800 : i32
        %lt3A_168 = arith.cmpi slt, %add3A_166, %lt3A_167 : i32
        %convert_element_type3A_169 = arith.extui %lt3A_168 : i1 to i32
        %cond3A_170 = arith.constant 0 : i32
        %cond3A_171 = arith.cmpi ne, %convert_element_type3A_169, %cond3A_170 : i32
        scf.if %cond3A_171 {
          %add3A_172 = arith.constant 1 : i32
          %add3A_173 = arith.addi %add3A_65, %add3A_172 : i32
          %dma_start3A_174 = arith.constant 0 : i32
          %dma_start3A_175 = arith.constant 0 : i32
          %dma_start3A_176 = tpu.memref_slice %arg2[%add3A, %add3A_173, %dma_start3A_174, %dma_start3A_175] : memref<32x800x1x128xi32, #tpu.memory_space<hbm>> -> memref<1x1x1x128xi32, #tpu.memory_space<hbm>>
          %dma_start3A_177 = tpu.memref_squeeze %dma_start3A_176 : memref<1x1x1x128xi32, #tpu.memory_space<hbm>> -> memref<1x128xi32, #tpu.memory_space<hbm>>
          %dma_start3A_178 = arith.constant 0 : i32
          %dma_start3A_179 = arith.constant 0 : i32
          %dma_start3A_180 = tpu.memref_slice %arg2[%add3A, %add3A_173, %dma_start3A_178, %dma_start3A_179] : memref<32x800x1x128xi32, #tpu.memory_space<hbm>> -> memref<1x1x1x128xi32, #tpu.memory_space<hbm>>
          %dma_start3A_181 = tpu.memref_squeeze %dma_start3A_180 : memref<1x1x1x128xi32, #tpu.memory_space<hbm>> -> memref<1x128xi32, #tpu.memory_space<hbm>>
          tpu.enqueue_dma source(%dma_start3A_181 : memref<1x128xi32, #tpu.memory_space<hbm>>) target(%arg6 : memref<1x128xi32, #tpu.memory_space<vmem>>) target_semaphore(%arg12 : memref<!tpu.dma_semaphore, #tpu.memory_space<semaphore_mem>>)
        } else {
        }
      } else {
      }
      %mul3A_83 = arith.constant 2 : i32
      %mul3A_84 = arith.muli %mul3A_83, %scan3A_61 : i32
      %add3A_85 = arith.constant 1 : i32
      %add3A_86 = arith.addi %mul3A_84, %add3A_85 : i32
      %dma_wait3A_87 = arith.constant 0 : i32
      %dma_wait3A_88 = arith.constant 0 : i32
      %dma_wait3A_89 = tpu.memref_slice %arg2[%add3A, %add3A_86, %dma_wait3A_87, %dma_wait3A_88] : memref<32x800x1x128xi32, #tpu.memory_space<hbm>> -> memref<1x1x1x128xi32, #tpu.memory_space<hbm>>
      %dma_wait3A_90 = tpu.memref_squeeze %dma_wait3A_89 : memref<1x1x1x128xi32, #tpu.memory_space<hbm>> -> memref<1x128xi32, #tpu.memory_space<hbm>>
      %dma_wait3A_91 = arith.constant 0 : i32
      %dma_wait3A_92 = arith.constant 0 : i32
      %dma_wait3A_93 = tpu.memref_slice %arg2[%add3A, %add3A_86, %dma_wait3A_91, %dma_wait3A_92] : memref<32x800x1x128xi32, #tpu.memory_space<hbm>> -> memref<1x1x1x128xi32, #tpu.memory_space<hbm>>
      %dma_wait3A_94 = tpu.memref_squeeze %dma_wait3A_93 : memref<1x1x1x128xi32, #tpu.memory_space<hbm>> -> memref<1x128xi32, #tpu.memory_space<hbm>>
      tpu.wait_dma2 semaphore(%arg12 : memref<!tpu.dma_semaphore, #tpu.memory_space<semaphore_mem>>) src(%dma_wait3A_94 : memref<1x128xi32, #tpu.memory_space<hbm>>) dst(%arg6 : memref<1x128xi32, #tpu.memory_space<vmem>>)
      %dma_start3A_95 = arith.constant 0 : i32
      %dma_start3A_96 = arith.constant 0 : i32
      %dma_start3A_97 = tpu.memref_slice %arg6[%dma_start3A_95, %dma_start3A_96] : memref<1x128xi32, #tpu.memory_space<vmem>> -> memref<1x128xi32, #tpu.memory_space<vmem>>
      %dma_start3A_98 = tpu.memref_squeeze %dma_start3A_97 : memref<1x128xi32, #tpu.memory_space<vmem>> -> memref<128xi32, #tpu.memory_space<vmem>>
      %dma_start3A_99 = arith.constant 0 : i32
      %dma_start3A_100 = arith.constant 0 : i32
      %dma_start3A_101 = tpu.memref_slice %arg3[%dma_start3A_99, %dma_start3A_100] : memref<1025x128xf32, #tpu.memory_space<hbm>> -> memref<1025x128xf32, #tpu.memory_space<hbm>>
      tpu.enqueue_indirect_dma source(%dma_start3A_101 : memref<1025x128xf32, #tpu.memory_space<hbm>>) target(%arg8 : memref<128x128xf32, #tpu.memory_space<vmem>>) offsets(%dma_start3A_98 : memref<128xi32, #tpu.memory_space<vmem>>) semaphore(%arg14 : memref<!tpu.dma_semaphore, #tpu.memory_space<semaphore_mem>>)
      %ge3A_102 = arith.constant 1 : i32
      %ge3A_103 = arith.cmpi sge, %scan3A_61, %ge3A_102 : i32
      %convert_element_type3A_104 = arith.extui %ge3A_103 : i1 to i32
      %cond3A_105 = arith.constant 0 : i32
      %cond3A_106 = arith.cmpi ne, %convert_element_type3A_104, %cond3A_105 : i32
      scf.if %cond3A_106 {
        %mul3A_136 = arith.constant 102400 : i32
        %mul3A_137 = arith.muli %add3A, %mul3A_136 : i32
        %dma_wait3A_138 = arith.constant 0 : i32
        %dma_wait3A_139 = tpu.memref_slice %arg4[%mul3A_137, %dma_wait3A_138] : memref<3276800x64xf32, #tpu.memory_space<hbm>> -> memref<128x64xf32, #tpu.memory_space<hbm>>
        %dma_wait3A_140 = arith.constant 0 : i32
        %dma_wait3A_141 = tpu.memref_slice %arg4[%mul3A_137, %dma_wait3A_140] : memref<3276800x64xf32, #tpu.memory_space<hbm>> -> memref<128x64xf32, #tpu.memory_space<hbm>>
        tpu.wait_dma2 semaphore(%arg15 : memref<!tpu.dma_semaphore, #tpu.memory_space<semaphore_mem>>) src(%arg9 : memref<128x64xf32, #tpu.memory_space<vmem>>) dst(%dma_wait3A_141 : memref<128x64xf32, #tpu.memory_space<hbm>>)
      } else {
      }
      %dma_wait3A_107 = arith.constant 0 : i32
      %dma_wait3A_108 = arith.constant 0 : i32
      %dma_wait3A_109 = tpu.memref_slice %arg5[%dma_wait3A_107, %dma_wait3A_108] : memref<1x128xi32, #tpu.memory_space<vmem>> -> memref<1x128xi32, #tpu.memory_space<vmem>>
      %dma_wait3A_110 = tpu.memref_squeeze %dma_wait3A_109 : memref<1x128xi32, #tpu.memory_space<vmem>> -> memref<128xi32, #tpu.memory_space<vmem>>
      %dma_wait3A_111 = arith.constant 0 : i32
      %dma_wait3A_112 = arith.constant 0 : i32
      %dma_wait3A_113 = tpu.memref_slice %arg3[%dma_wait3A_111, %dma_wait3A_112] : memref<1025x128xf32, #tpu.memory_space<hbm>> -> memref<1025x128xf32, #tpu.memory_space<hbm>>
      tpu.wait_indirect_dma semaphore(%arg13 : memref<!tpu.dma_semaphore, #tpu.memory_space<semaphore_mem>>) src(%dma_wait3A_113 : memref<1025x128xf32, #tpu.memory_space<hbm>>) dst(%arg7 : memref<128x128xf32, #tpu.memory_space<vmem>>)
      %sub3A = arith.constant 1 : i32
      %sub3A_114 = arith.subi %add3A_86, %sub3A : i32
      %scan3A_115 = arith.constant 0 : i32
      %scan3A_116 = arith.constant 0 : i32
      %scan3A_117 = arith.constant 32 : i32
      %scan3A_118 = arith.addi %scan3A_116, %scan3A_117 : i32
      %scan3A_119 = arith.constant 1 : i32
      scf.for %scan3A_136 = %scan3A_116 to %scan3A_118 step %scan3A_119  : i32 {
        %mul3A_137 = arith.constant 4 : i32
        %mul3A_138 = arith.muli %scan3A_136, %mul3A_137 : i32
        %add3A_139 = arith.constant 0 : i32
        %add3A_140 = arith.addi %mul3A_138, %add3A_139 : i32
        %get3A = arith.index_cast %add3A_140 : i32 to index
        %get3A_141 = arith.constant 0 : index
        %get3A_142 = tpu.vector_load %arg7[%get3A, %get3A_141] {strides = array<i32>} : memref<128x128xf32, #tpu.memory_space<vmem>>, vector<1x16xf32>,
        %get3A_143 = vector.shape_cast %get3A_142 : vector<1x16xf32> to vector<16xf32>
        %swap3A = arith.index_cast %add3A_140 : i32 to index
        %swap3A_144 = arith.constant 0 : index
        %swap3A_145 = tpu.vector_load %arg9[%swap3A, %swap3A_144] {strides = array<i32>} : memref<128x64xf32, #tpu.memory_space<vmem>>, vector<1x16xf32>,
        %swap3A_146 = vector.shape_cast %swap3A_145 : vector<1x16xf32> to vector<16xf32>
        %swap3A_147 = vector.shape_cast %get3A_143 : vector<16xf32> to vector<1x16xf32>
        tpu.vector_store %arg9[%swap3A, %swap3A_144], %swap3A_147 {strides = array<i32>} : memref<128x64xf32, #tpu.memory_space<vmem>>, vector<1x16xf32>,
        %get3A_148 = arith.index_cast %add3A_140 : i32 to index
        %get3A_149 = arith.constant 16 : index
        %get3A_150 = tpu.vector_load %arg7[%get3A_148, %get3A_149] {strides = array<i32>} : memref<128x128xf32, #tpu.memory_space<vmem>>, vector<1x16xf32>,
        %get3A_151 = vector.shape_cast %get3A_150 : vector<1x16xf32> to vector<16xf32>
        %swap3A_152 = arith.index_cast %add3A_140 : i32 to index
        %swap3A_153 = arith.constant 16 : index
        %swap3A_154 = tpu.vector_load %arg9[%swap3A_152, %swap3A_153] {strides = array<i32>} : memref<128x64xf32, #tpu.memory_space<vmem>>, vector<1x16xf32>,
        %swap3A_155 = vector.shape_cast %swap3A_154 : vector<1x16xf32> to vector<16xf32>
        %swap3A_156 = vector.shape_cast %get3A_151 : vector<16xf32> to vector<1x16xf32>
        tpu.vector_store %arg9[%swap3A_152, %swap3A_153], %swap3A_156 {strides = array<i32>} : memref<128x64xf32, #tpu.memory_space<vmem>>, vector<1x16xf32>,
        %get3A_157 = arith.index_cast %add3A_140 : i32 to index
        %get3A_158 = arith.constant 32 : index
        %get3A_159 = tpu.vector_load %arg7[%get3A_157, %get3A_158] {strides = array<i32>} : memref<128x128xf32, #tpu.memory_space<vmem>>, vector<1x16xf32>,
        %get3A_160 = vector.shape_cast %get3A_159 : vector<1x16xf32> to vector<16xf32>
        %swap3A_161 = arith.index_cast %add3A_140 : i32 to index
        %swap3A_162 = arith.constant 32 : index
        %swap3A_163 = tpu.vector_load %arg9[%swap3A_161, %swap3A_162] {strides = array<i32>} : memref<128x64xf32, #tpu.memory_space<vmem>>, vector<1x16xf32>,
        %swap3A_164 = vector.shape_cast %swap3A_163 : vector<1x16xf32> to vector<16xf32>
        %swap3A_165 = vector.shape_cast %get3A_160 : vector<16xf32> to vector<1x16xf32>
        tpu.vector_store %arg9[%swap3A_161, %swap3A_162], %swap3A_165 {strides = array<i32>} : memref<128x64xf32, #tpu.memory_space<vmem>>, vector<1x16xf32>,
        %get3A_166 = arith.index_cast %add3A_140 : i32 to index
        %get3A_167 = arith.constant 48 : index
        %get3A_168 = tpu.vector_load %arg7[%get3A_166, %get3A_167] {strides = array<i32>} : memref<128x128xf32, #tpu.memory_space<vmem>>, vector<1x16xf32>,
        %get3A_169 = vector.shape_cast %get3A_168 : vector<1x16xf32> to vector<16xf32>
        %swap3A_170 = arith.index_cast %add3A_140 : i32 to index
        %swap3A_171 = arith.constant 48 : index
        %swap3A_172 = tpu.vector_load %arg9[%swap3A_170, %swap3A_171] {strides = array<i32>} : memref<128x64xf32, #tpu.memory_space<vmem>>, vector<1x16xf32>,
        %swap3A_173 = vector.shape_cast %swap3A_172 : vector<1x16xf32> to vector<16xf32>
        %swap3A_174 = vector.shape_cast %get3A_169 : vector<16xf32> to vector<1x16xf32>
        tpu.vector_store %arg9[%swap3A_170, %swap3A_171], %swap3A_174 {strides = array<i32>} : memref<128x64xf32, #tpu.memory_space<vmem>>, vector<1x16xf32>,
        %mul3A_175 = arith.constant 4 : i32
        %mul3A_176 = arith.muli %scan3A_136, %mul3A_175 : i32
        %add3A_177 = arith.constant 1 : i32
        %add3A_178 = arith.addi %mul3A_176, %add3A_177 : i32
        %get3A_179 = arith.index_cast %add3A_178 : i32 to index
        %get3A_180 = arith.constant 0 : index
        %get3A_181 = tpu.vector_load %arg7[%get3A_179, %get3A_180] {strides = array<i32>} : memref<128x128xf32, #tpu.memory_space<vmem>>, vector<1x16xf32>,
        %get3A_182 = vector.shape_cast %get3A_181 : vector<1x16xf32> to vector<16xf32>
        %swap3A_183 = arith.index_cast %add3A_178 : i32 to index
        %swap3A_184 = arith.constant 0 : index
        %swap3A_185 = tpu.vector_load %arg9[%swap3A_183, %swap3A_184] {strides = array<i32>} : memref<128x64xf32, #tpu.memory_space<vmem>>, vector<1x16xf32>,
        %swap3A_186 = vector.shape_cast %swap3A_185 : vector<1x16xf32> to vector<16xf32>
        %swap3A_187 = vector.shape_cast %get3A_182 : vector<16xf32> to vector<1x16xf32>
        tpu.vector_store %arg9[%swap3A_183, %swap3A_184], %swap3A_187 {strides = array<i32>} : memref<128x64xf32, #tpu.memory_space<vmem>>, vector<1x16xf32>,
        %get3A_188 = arith.index_cast %add3A_178 : i32 to index
        %get3A_189 = arith.constant 16 : index
        %get3A_190 = tpu.vector_load %arg7[%get3A_188, %get3A_189] {strides = array<i32>} : memref<128x128xf32, #tpu.memory_space<vmem>>, vector<1x16xf32>,
        %get3A_191 = vector.shape_cast %get3A_190 : vector<1x16xf32> to vector<16xf32>
        %swap3A_192 = arith.index_cast %add3A_178 : i32 to index
        %swap3A_193 = arith.constant 16 : index
        %swap3A_194 = tpu.vector_load %arg9[%swap3A_192, %swap3A_193] {strides = array<i32>} : memref<128x64xf32, #tpu.memory_space<vmem>>, vector<1x16xf32>,
        %swap3A_195 = vector.shape_cast %swap3A_194 : vector<1x16xf32> to vector<16xf32>
        %swap3A_196 = vector.shape_cast %get3A_191 : vector<16xf32> to vector<1x16xf32>
        tpu.vector_store %arg9[%swap3A_192, %swap3A_193], %swap3A_196 {strides = array<i32>} : memref<128x64xf32, #tpu.memory_space<vmem>>, vector<1x16xf32>,
        %get3A_197 = arith.index_cast %add3A_178 : i32 to index
        %get3A_198 = arith.constant 32 : index
        %get3A_199 = tpu.vector_load %arg7[%get3A_197, %get3A_198] {strides = array<i32>} : memref<128x128xf32, #tpu.memory_space<vmem>>, vector<1x16xf32>,
        %get3A_200 = vector.shape_cast %get3A_199 : vector<1x16xf32> to vector<16xf32>
        %swap3A_201 = arith.index_cast %add3A_178 : i32 to index
        %swap3A_202 = arith.constant 32 : index
        %swap3A_203 = tpu.vector_load %arg9[%swap3A_201, %swap3A_202] {strides = array<i32>} : memref<128x64xf32, #tpu.memory_space<vmem>>, vector<1x16xf32>,
        %swap3A_204 = vector.shape_cast %swap3A_203 : vector<1x16xf32> to vector<16xf32>
        %swap3A_205 = vector.shape_cast %get3A_200 : vector<16xf32> to vector<1x16xf32>
        tpu.vector_store %arg9[%swap3A_201, %swap3A_202], %swap3A_205 {strides = array<i32>} : memref<128x64xf32, #tpu.memory_space<vmem>>, vector<1x16xf32>,
        %get3A_206 = arith.index_cast %add3A_178 : i32 to index
        %get3A_207 = arith.constant 48 : index
        %get3A_208 = tpu.vector_load %arg7[%get3A_206, %get3A_207] {strides = array<i32>} : memref<128x128xf32, #tpu.memory_space<vmem>>, vector<1x16xf32>,
        %get3A_209 = vector.shape_cast %get3A_208 : vector<1x16xf32> to vector<16xf32>
        %swap3A_210 = arith.index_cast %add3A_178 : i32 to index
        %swap3A_211 = arith.constant 48 : index
        %swap3A_212 = tpu.vector_load %arg9[%swap3A_210, %swap3A_211] {strides = array<i32>} : memref<128x64xf32, #tpu.memory_space<vmem>>, vector<1x16xf32>,
        %swap3A_213 = vector.shape_cast %swap3A_212 : vector<1x16xf32> to vector<16xf32>
        %swap3A_214 = vector.shape_cast %get3A_209 : vector<16xf32> to vector<1x16xf32>
        tpu.vector_store %arg9[%swap3A_210, %swap3A_211], %swap3A_214 {strides = array<i32>} : memref<128x64xf32, #tpu.memory_space<vmem>>, vector<1x16xf32>,
        %mul3A_215 = arith.constant 4 : i32
        %mul3A_216 = arith.muli %scan3A_136, %mul3A_215 : i32
        %add3A_217 = arith.constant 2 : i32
        %add3A_218 = arith.addi %mul3A_216, %add3A_217 : i32
        %get3A_219 = arith.index_cast %add3A_218 : i32 to index
        %get3A_220 = arith.constant 0 : index
        %get3A_221 = tpu.vector_load %arg7[%get3A_219, %get3A_220] {strides = array<i32>} : memref<128x128xf32, #tpu.memory_space<vmem>>, vector<1x16xf32>,
        %get3A_222 = vector.shape_cast %get3A_221 : vector<1x16xf32> to vector<16xf32>
        %swap3A_223 = arith.index_cast %add3A_218 : i32 to index
        %swap3A_224 = arith.constant 0 : index
        %swap3A_225 = tpu.vector_load %arg9[%swap3A_223, %swap3A_224] {strides = array<i32>} : memref<128x64xf32, #tpu.memory_space<vmem>>, vector<1x16xf32>,
        %swap3A_226 = vector.shape_cast %swap3A_225 : vector<1x16xf32> to vector<16xf32>
        %swap3A_227 = vector.shape_cast %get3A_222 : vector<16xf32> to vector<1x16xf32>
        tpu.vector_store %arg9[%swap3A_223, %swap3A_224], %swap3A_227 {strides = array<i32>} : memref<128x64xf32, #tpu.memory_space<vmem>>, vector<1x16xf32>,
        %get3A_228 = arith.index_cast %add3A_218 : i32 to index
        %get3A_229 = arith.constant 16 : index
        %get3A_230 = tpu.vector_load %arg7[%get3A_228, %get3A_229] {strides = array<i32>} : memref<128x128xf32, #tpu.memory_space<vmem>>, vector<1x16xf32>,
        %get3A_231 = vector.shape_cast %get3A_230 : vector<1x16xf32> to vector<16xf32>
        %swap3A_232 = arith.index_cast %add3A_218 : i32 to index
        %swap3A_233 = arith.constant 16 : index
        %swap3A_234 = tpu.vector_load %arg9[%swap3A_232, %swap3A_233] {strides = array<i32>} : memref<128x64xf32, #tpu.memory_space<vmem>>, vector<1x16xf32>,
        %swap3A_235 = vector.shape_cast %swap3A_234 : vector<1x16xf32> to vector<16xf32>
        %swap3A_236 = vector.shape_cast %get3A_231 : vector<16xf32> to vector<1x16xf32>
        tpu.vector_store %arg9[%swap3A_232, %swap3A_233], %swap3A_236 {strides = array<i32>} : memref<128x64xf32, #tpu.memory_space<vmem>>, vector<1x16xf32>,
        %get3A_237 = arith.index_cast %add3A_218 : i32 to index
        %get3A_238 = arith.constant 32 : index
        %get3A_239 = tpu.vector_load %arg7[%get3A_237, %get3A_238] {strides = array<i32>} : memref<128x128xf32, #tpu.memory_space<vmem>>, vector<1x16xf32>,
        %get3A_240 = vector.shape_cast %get3A_239 : vector<1x16xf32> to vector<16xf32>
        %swap3A_241 = arith.index_cast %add3A_218 : i32 to index
        %swap3A_242 = arith.constant 32 : index
        %swap3A_243 = tpu.vector_load %arg9[%swap3A_241, %swap3A_242] {strides = array<i32>} : memref<128x64xf32, #tpu.memory_space<vmem>>, vector<1x16xf32>,
        %swap3A_244 = vector.shape_cast %swap3A_243 : vector<1x16xf32> to vector<16xf32>
        %swap3A_245 = vector.shape_cast %get3A_240 : vector<16xf32> to vector<1x16xf32>
        tpu.vector_store %arg9[%swap3A_241, %swap3A_242], %swap3A_245 {strides = array<i32>} : memref<128x64xf32, #tpu.memory_space<vmem>>, vector<1x16xf32>,
        %get3A_246 = arith.index_cast %add3A_218 : i32 to index
        %get3A_247 = arith.constant 48 : index
        %get3A_248 = tpu.vector_load %arg7[%get3A_246, %get3A_247] {strides = array<i32>} : memref<128x128xf32, #tpu.memory_space<vmem>>, vector<1x16xf32>,
        %get3A_249 = vector.shape_cast %get3A_248 : vector<1x16xf32> to vector<16xf32>
        %swap3A_250 = arith.index_cast %add3A_218 : i32 to index
        %swap3A_251 = arith.constant 48 : index
        %swap3A_252 = tpu.vector_load %arg9[%swap3A_250, %swap3A_251] {strides = array<i32>} : memref<128x64xf32, #tpu.memory_space<vmem>>, vector<1x16xf32>,
        %swap3A_253 = vector.shape_cast %swap3A_252 : vector<1x16xf32> to vector<16xf32>
        %swap3A_254 = vector.shape_cast %get3A_249 : vector<16xf32> to vector<1x16xf32>
        tpu.vector_store %arg9[%swap3A_250, %swap3A_251], %swap3A_254 {strides = array<i32>} : memref<128x64xf32, #tpu.memory_space<vmem>>, vector<1x16xf32>,
        %mul3A_255 = arith.constant 4 : i32
        %mul3A_256 = arith.muli %scan3A_136, %mul3A_255 : i32
        %add3A_257 = arith.constant 3 : i32
        %add3A_258 = arith.addi %mul3A_256, %add3A_257 : i32
        %get3A_259 = arith.index_cast %add3A_258 : i32 to index
        %get3A_260 = arith.constant 0 : index
        %get3A_261 = tpu.vector_load %arg7[%get3A_259, %get3A_260] {strides = array<i32>} : memref<128x128xf32, #tpu.memory_space<vmem>>, vector<1x16xf32>,
        %get3A_262 = vector.shape_cast %get3A_261 : vector<1x16xf32> to vector<16xf32>
        %swap3A_263 = arith.index_cast %add3A_258 : i32 to index
        %swap3A_264 = arith.constant 0 : index
        %swap3A_265 = tpu.vector_load %arg9[%swap3A_263, %swap3A_264] {strides = array<i32>} : memref<128x64xf32, #tpu.memory_space<vmem>>, vector<1x16xf32>,
        %swap3A_266 = vector.shape_cast %swap3A_265 : vector<1x16xf32> to vector<16xf32>
        %swap3A_267 = vector.shape_cast %get3A_262 : vector<16xf32> to vector<1x16xf32>
        tpu.vector_store %arg9[%swap3A_263, %swap3A_264], %swap3A_267 {strides = array<i32>} : memref<128x64xf32, #tpu.memory_space<vmem>>, vector<1x16xf32>,
        %get3A_268 = arith.index_cast %add3A_258 : i32 to index
        %get3A_269 = arith.constant 16 : index
        %get3A_270 = tpu.vector_load %arg7[%get3A_268, %get3A_269] {strides = array<i32>} : memref<128x128xf32, #tpu.memory_space<vmem>>, vector<1x16xf32>,
        %get3A_271 = vector.shape_cast %get3A_270 : vector<1x16xf32> to vector<16xf32>
        %swap3A_272 = arith.index_cast %add3A_258 : i32 to index
        %swap3A_273 = arith.constant 16 : index
        %swap3A_274 = tpu.vector_load %arg9[%swap3A_272, %swap3A_273] {strides = array<i32>} : memref<128x64xf32, #tpu.memory_space<vmem>>, vector<1x16xf32>,
        %swap3A_275 = vector.shape_cast %swap3A_274 : vector<1x16xf32> to vector<16xf32>
        %swap3A_276 = vector.shape_cast %get3A_271 : vector<16xf32> to vector<1x16xf32>
        tpu.vector_store %arg9[%swap3A_272, %swap3A_273], %swap3A_276 {strides = array<i32>} : memref<128x64xf32, #tpu.memory_space<vmem>>, vector<1x16xf32>,
        %get3A_277 = arith.index_cast %add3A_258 : i32 to index
        %get3A_278 = arith.constant 32 : index
        %get3A_279 = tpu.vector_load %arg7[%get3A_277, %get3A_278] {strides = array<i32>} : memref<128x128xf32, #tpu.memory_space<vmem>>, vector<1x16xf32>,
        %get3A_280 = vector.shape_cast %get3A_279 : vector<1x16xf32> to vector<16xf32>
        %swap3A_281 = arith.index_cast %add3A_258 : i32 to index
        %swap3A_282 = arith.constant 32 : index
        %swap3A_283 = tpu.vector_load %arg9[%swap3A_281, %swap3A_282] {strides = array<i32>} : memref<128x64xf32, #tpu.memory_space<vmem>>, vector<1x16xf32>,
        %swap3A_284 = vector.shape_cast %swap3A_283 : vector<1x16xf32> to vector<16xf32>
        %swap3A_285 = vector.shape_cast %get3A_280 : vector<16xf32> to vector<1x16xf32>
        tpu.vector_store %arg9[%swap3A_281, %swap3A_282], %swap3A_285 {strides = array<i32>} : memref<128x64xf32, #tpu.memory_space<vmem>>, vector<1x16xf32>,
        %get3A_286 = arith.index_cast %add3A_258 : i32 to index
        %get3A_287 = arith.constant 48 : index
        %get3A_288 = tpu.vector_load %arg7[%get3A_286, %get3A_287] {strides = array<i32>} : memref<128x128xf32, #tpu.memory_space<vmem>>, vector<1x16xf32>,
        %get3A_289 = vector.shape_cast %get3A_288 : vector<1x16xf32> to vector<16xf32>
        %swap3A_290 = arith.index_cast %add3A_258 : i32 to index
        %swap3A_291 = arith.constant 48 : index
        %swap3A_292 = tpu.vector_load %arg9[%swap3A_290, %swap3A_291] {strides = array<i32>} : memref<128x64xf32, #tpu.memory_space<vmem>>, vector<1x16xf32>,
        %swap3A_293 = vector.shape_cast %swap3A_292 : vector<1x16xf32> to vector<16xf32>
        %swap3A_294 = vector.shape_cast %get3A_289 : vector<16xf32> to vector<1x16xf32>
        tpu.vector_store %arg9[%swap3A_290, %swap3A_291], %swap3A_294 {strides = array<i32>} : memref<128x64xf32, #tpu.memory_space<vmem>>, vector<1x16xf32>,
      }
      %scan3A_120 = arith.constant 32 : i32
      %mul3A_121 = arith.constant 102400 : i32
      %mul3A_122 = arith.muli %add3A, %mul3A_121 : i32
      %mul3A_123 = arith.constant 128 : i32
      %mul3A_124 = arith.muli %sub3A_114, %mul3A_123 : i32
      %add3A_125 = arith.addi %mul3A_122, %mul3A_124 : i32
      %dma_start3A_126 = arith.constant 0 : i32
      %dma_start3A_127 = tpu.memref_slice %arg4[%add3A_125, %dma_start3A_126] : memref<3276800x64xf32, #tpu.memory_space<hbm>> -> memref<128x64xf32, #tpu.memory_space<hbm>>
      %dma_start3A_128 = arith.constant 0 : i32
      %dma_start3A_129 = tpu.memref_slice %arg4[%add3A_125, %dma_start3A_128] : memref<3276800x64xf32, #tpu.memory_space<hbm>> -> memref<128x64xf32, #tpu.memory_space<hbm>>
      tpu.enqueue_dma source(%arg9 : memref<128x64xf32, #tpu.memory_space<vmem>>) target(%dma_start3A_129 : memref<128x64xf32, #tpu.memory_space<hbm>>) target_semaphore(%arg15 : memref<!tpu.dma_semaphore, #tpu.memory_space<semaphore_mem>>)
      %add3A_130 = arith.constant 1 : i32
      %add3A_131 = arith.addi %add3A_86, %add3A_130 : i32
      %lt3A = arith.constant 800 : i32
      %lt3A_132 = arith.cmpi slt, %add3A_131, %lt3A : i32
      %convert_element_type3A_133 = arith.extui %lt3A_132 : i1 to i32
      %cond3A_134 = arith.constant 0 : i32
      %cond3A_135 = arith.cmpi ne, %convert_element_type3A_133, %cond3A_134 : i32
      scf.if %cond3A_135 {
        %add3A_136 = arith.constant 1 : i32
        %add3A_137 = arith.addi %add3A_86, %add3A_136 : i32
        %dma_start3A_138 = arith.constant 0 : i32
        %dma_start3A_139 = arith.constant 0 : i32
        %dma_start3A_140 = tpu.memref_slice %arg2[%add3A, %add3A_137, %dma_start3A_138, %dma_start3A_139] : memref<32x800x1x128xi32, #tpu.memory_space<hbm>> -> memref<1x1x1x128xi32, #tpu.memory_space<hbm>>
        %dma_start3A_141 = tpu.memref_squeeze %dma_start3A_140 : memref<1x1x1x128xi32, #tpu.memory_space<hbm>> -> memref<1x128xi32, #tpu.memory_space<hbm>>
        %dma_start3A_142 = arith.constant 0 : i32
        %dma_start3A_143 = arith.constant 0 : i32
        %dma_start3A_144 = tpu.memref_slice %arg2[%add3A, %add3A_137, %dma_start3A_142, %dma_start3A_143] : memref<32x800x1x128xi32, #tpu.memory_space<hbm>> -> memref<1x1x1x128xi32, #tpu.memory_space<hbm>>
        %dma_start3A_145 = tpu.memref_squeeze %dma_start3A_144 : memref<1x1x1x128xi32, #tpu.memory_space<hbm>> -> memref<1x128xi32, #tpu.memory_space<hbm>>
        tpu.enqueue_dma source(%dma_start3A_145 : memref<1x128xi32, #tpu.memory_space<hbm>>) target(%arg5 : memref<1x128xi32, #tpu.memory_space<vmem>>) target_semaphore(%arg11 : memref<!tpu.dma_semaphore, #tpu.memory_space<semaphore_mem>>)
      } else {
      }
    }
    %scan3A_22 = arith.constant 400 : i32
    %mul3A_23 = arith.constant 102400 : i32
    %mul3A_24 = arith.muli %add3A, %mul3A_23 : i32
    %dma_wait3A = arith.constant 0 : i32
    %dma_wait3A_25 = tpu.memref_slice %arg4[%mul3A_24, %dma_wait3A] : memref<3276800x64xf32, #tpu.memory_space<hbm>> -> memref<128x64xf32, #tpu.memory_space<hbm>>
    %dma_wait3A_26 = arith.constant 0 : i32
    %dma_wait3A_27 = tpu.memref_slice %arg4[%mul3A_24, %dma_wait3A_26] : memref<3276800x64xf32, #tpu.memory_space<hbm>> -> memref<128x64xf32, #tpu.memory_space<hbm>>
    tpu.wait_dma2 semaphore(%arg16 : memref<!tpu.dma_semaphore, #tpu.memory_space<semaphore_mem>>) src(%arg10 : memref<128x64xf32, #tpu.memory_space<vmem>>) dst(%dma_wait3A_27 : memref<128x64xf32, #tpu.memory_space<hbm>>)
    %dma_wait3A_28 = arith.constant 0 : i32
    %dma_wait3A_29 = arith.constant 0 : i32
    %dma_wait3A_30 = tpu.memref_slice %arg6[%dma_wait3A_28, %dma_wait3A_29] : memref<1x128xi32, #tpu.memory_space<vmem>> -> memref<1x128xi32, #tpu.memory_space<vmem>>
    %dma_wait3A_31 = tpu.memref_squeeze %dma_wait3A_30 : memref<1x128xi32, #tpu.memory_space<vmem>> -> memref<128xi32, #tpu.memory_space<vmem>>
    %dma_wait3A_32 = arith.constant 0 : i32
    %dma_wait3A_33 = arith.constant 0 : i32
    %dma_wait3A_34 = tpu.memref_slice %arg3[%dma_wait3A_32, %dma_wait3A_33] : memref<1025x128xf32, #tpu.memory_space<hbm>> -> memref<1025x128xf32, #tpu.memory_space<hbm>>
    tpu.wait_indirect_dma semaphore(%arg14 : memref<!tpu.dma_semaphore, #tpu.memory_space<semaphore_mem>>) src(%dma_wait3A_34 : memref<1025x128xf32, #tpu.memory_space<hbm>>) dst(%arg8 : memref<128x128xf32, #tpu.memory_space<vmem>>)
    %scan3A_35 = arith.constant 0 : i32
    %scan3A_36 = arith.constant 0 : i32
    %scan3A_37 = arith.constant 32 : i32
    %scan3A_38 = arith.addi %scan3A_36, %scan3A_37 : i32
    %scan3A_39 = arith.constant 1 : i32
    scf.for %scan3A_61 = %scan3A_36 to %scan3A_38 step %scan3A_39  : i32 {
      %mul3A_62 = arith.constant 4 : i32
      %mul3A_63 = arith.muli %scan3A_61, %mul3A_62 : i32
      %add3A_64 = arith.constant 0 : i32
      %add3A_65 = arith.addi %mul3A_63, %add3A_64 : i32
      %get3A = arith.index_cast %add3A_65 : i32 to index
      %get3A_66 = arith.constant 0 : index
      %get3A_67 = tpu.vector_load %arg8[%get3A, %get3A_66] {strides = array<i32>} : memref<128x128xf32, #tpu.memory_space<vmem>>, vector<1x16xf32>,
      %get3A_68 = vector.shape_cast %get3A_67 : vector<1x16xf32> to vector<16xf32>
      %swap3A = arith.index_cast %add3A_65 : i32 to index
      %swap3A_69 = arith.constant 0 : index
      %swap3A_70 = tpu.vector_load %arg10[%swap3A, %swap3A_69] {strides = array<i32>} : memref<128x64xf32, #tpu.memory_space<vmem>>, vector<1x16xf32>,
      %swap3A_71 = vector.shape_cast %swap3A_70 : vector<1x16xf32> to vector<16xf32>
      %swap3A_72 = vector.shape_cast %get3A_68 : vector<16xf32> to vector<1x16xf32>
      tpu.vector_store %arg10[%swap3A, %swap3A_69], %swap3A_72 {strides = array<i32>} : memref<128x64xf32, #tpu.memory_space<vmem>>, vector<1x16xf32>,
      %get3A_73 = arith.index_cast %add3A_65 : i32 to index
      %get3A_74 = arith.constant 16 : index
      %get3A_75 = tpu.vector_load %arg8[%get3A_73, %get3A_74] {strides = array<i32>} : memref<128x128xf32, #tpu.memory_space<vmem>>, vector<1x16xf32>,
      %get3A_76 = vector.shape_cast %get3A_75 : vector<1x16xf32> to vector<16xf32>
      %swap3A_77 = arith.index_cast %add3A_65 : i32 to index
      %swap3A_78 = arith.constant 16 : index
      %swap3A_79 = tpu.vector_load %arg10[%swap3A_77, %swap3A_78] {strides = array<i32>} : memref<128x64xf32, #tpu.memory_space<vmem>>, vector<1x16xf32>,
      %swap3A_80 = vector.shape_cast %swap3A_79 : vector<1x16xf32> to vector<16xf32>
      %swap3A_81 = vector.shape_cast %get3A_76 : vector<16xf32> to vector<1x16xf32>
      tpu.vector_store %arg10[%swap3A_77, %swap3A_78], %swap3A_81 {strides = array<i32>} : memref<128x64xf32, #tpu.memory_space<vmem>>, vector<1x16xf32>,
      %get3A_82 = arith.index_cast %add3A_65 : i32 to index
      %get3A_83 = arith.constant 32 : index
      %get3A_84 = tpu.vector_load %arg8[%get3A_82, %get3A_83] {strides = array<i32>} : memref<128x128xf32, #tpu.memory_space<vmem>>, vector<1x16xf32>,
      %get3A_85 = vector.shape_cast %get3A_84 : vector<1x16xf32> to vector<16xf32>
      %swap3A_86 = arith.index_cast %add3A_65 : i32 to index
      %swap3A_87 = arith.constant 32 : index
      %swap3A_88 = tpu.vector_load %arg10[%swap3A_86, %swap3A_87] {strides = array<i32>} : memref<128x64xf32, #tpu.memory_space<vmem>>, vector<1x16xf32>,
      %swap3A_89 = vector.shape_cast %swap3A_88 : vector<1x16xf32> to vector<16xf32>
      %swap3A_90 = vector.shape_cast %get3A_85 : vector<16xf32> to vector<1x16xf32>
      tpu.vector_store %arg10[%swap3A_86, %swap3A_87], %swap3A_90 {strides = array<i32>} : memref<128x64xf32, #tpu.memory_space<vmem>>, vector<1x16xf32>,
      %get3A_91 = arith.index_cast %add3A_65 : i32 to index
      %get3A_92 = arith.constant 48 : index
      %get3A_93 = tpu.vector_load %arg8[%get3A_91, %get3A_92] {strides = array<i32>} : memref<128x128xf32, #tpu.memory_space<vmem>>, vector<1x16xf32>,
      %get3A_94 = vector.shape_cast %get3A_93 : vector<1x16xf32> to vector<16xf32>
      %swap3A_95 = arith.index_cast %add3A_65 : i32 to index
      %swap3A_96 = arith.constant 48 : index
      %swap3A_97 = tpu.vector_load %arg10[%swap3A_95, %swap3A_96] {strides = array<i32>} : memref<128x64xf32, #tpu.memory_space<vmem>>, vector<1x16xf32>,
      %swap3A_98 = vector.shape_cast %swap3A_97 : vector<1x16xf32> to vector<16xf32>
      %swap3A_99 = vector.shape_cast %get3A_94 : vector<16xf32> to vector<1x16xf32>
      tpu.vector_store %arg10[%swap3A_95, %swap3A_96], %swap3A_99 {strides = array<i32>} : memref<128x64xf32, #tpu.memory_space<vmem>>, vector<1x16xf32>,
      %mul3A_100 = arith.constant 4 : i32
      %mul3A_101 = arith.muli %scan3A_61, %mul3A_100 : i32
      %add3A_102 = arith.constant 1 : i32
      %add3A_103 = arith.addi %mul3A_101, %add3A_102 : i32
      %get3A_104 = arith.index_cast %add3A_103 : i32 to index
      %get3A_105 = arith.constant 0 : index
      %get3A_106 = tpu.vector_load %arg8[%get3A_104, %get3A_105] {strides = array<i32>} : memref<128x128xf32, #tpu.memory_space<vmem>>, vector<1x16xf32>,
      %get3A_107 = vector.shape_cast %get3A_106 : vector<1x16xf32> to vector<16xf32>
      %swap3A_108 = arith.index_cast %add3A_103 : i32 to index
      %swap3A_109 = arith.constant 0 : index
      %swap3A_110 = tpu.vector_load %arg10[%swap3A_108, %swap3A_109] {strides = array<i32>} : memref<128x64xf32, #tpu.memory_space<vmem>>, vector<1x16xf32>,
      %swap3A_111 = vector.shape_cast %swap3A_110 : vector<1x16xf32> to vector<16xf32>
      %swap3A_112 = vector.shape_cast %get3A_107 : vector<16xf32> to vector<1x16xf32>
      tpu.vector_store %arg10[%swap3A_108, %swap3A_109], %swap3A_112 {strides = array<i32>} : memref<128x64xf32, #tpu.memory_space<vmem>>, vector<1x16xf32>,
      %get3A_113 = arith.index_cast %add3A_103 : i32 to index
      %get3A_114 = arith.constant 16 : index
      %get3A_115 = tpu.vector_load %arg8[%get3A_113, %get3A_114] {strides = array<i32>} : memref<128x128xf32, #tpu.memory_space<vmem>>, vector<1x16xf32>,
      %get3A_116 = vector.shape_cast %get3A_115 : vector<1x16xf32> to vector<16xf32>
      %swap3A_117 = arith.index_cast %add3A_103 : i32 to index
      %swap3A_118 = arith.constant 16 : index
      %swap3A_119 = tpu.vector_load %arg10[%swap3A_117, %swap3A_118] {strides = array<i32>} : memref<128x64xf32, #tpu.memory_space<vmem>>, vector<1x16xf32>,
      %swap3A_120 = vector.shape_cast %swap3A_119 : vector<1x16xf32> to vector<16xf32>
      %swap3A_121 = vector.shape_cast %get3A_116 : vector<16xf32> to vector<1x16xf32>
      tpu.vector_store %arg10[%swap3A_117, %swap3A_118], %swap3A_121 {strides = array<i32>} : memref<128x64xf32, #tpu.memory_space<vmem>>, vector<1x16xf32>,
      %get3A_122 = arith.index_cast %add3A_103 : i32 to index
      %get3A_123 = arith.constant 32 : index
      %get3A_124 = tpu.vector_load %arg8[%get3A_122, %get3A_123] {strides = array<i32>} : memref<128x128xf32, #tpu.memory_space<vmem>>, vector<1x16xf32>,
      %get3A_125 = vector.shape_cast %get3A_124 : vector<1x16xf32> to vector<16xf32>
      %swap3A_126 = arith.index_cast %add3A_103 : i32 to index
      %swap3A_127 = arith.constant 32 : index
      %swap3A_128 = tpu.vector_load %arg10[%swap3A_126, %swap3A_127] {strides = array<i32>} : memref<128x64xf32, #tpu.memory_space<vmem>>, vector<1x16xf32>,
      %swap3A_129 = vector.shape_cast %swap3A_128 : vector<1x16xf32> to vector<16xf32>
      %swap3A_130 = vector.shape_cast %get3A_125 : vector<16xf32> to vector<1x16xf32>
      tpu.vector_store %arg10[%swap3A_126, %swap3A_127], %swap3A_130 {strides = array<i32>} : memref<128x64xf32, #tpu.memory_space<vmem>>, vector<1x16xf32>,
      %get3A_131 = arith.index_cast %add3A_103 : i32 to index
      %get3A_132 = arith.constant 48 : index
      %get3A_133 = tpu.vector_load %arg8[%get3A_131, %get3A_132] {strides = array<i32>} : memref<128x128xf32, #tpu.memory_space<vmem>>, vector<1x16xf32>,
      %get3A_134 = vector.shape_cast %get3A_133 : vector<1x16xf32> to vector<16xf32>
      %swap3A_135 = arith.index_cast %add3A_103 : i32 to index
      %swap3A_136 = arith.constant 48 : index
      %swap3A_137 = tpu.vector_load %arg10[%swap3A_135, %swap3A_136] {strides = array<i32>} : memref<128x64xf32, #tpu.memory_space<vmem>>, vector<1x16xf32>,
      %swap3A_138 = vector.shape_cast %swap3A_137 : vector<1x16xf32> to vector<16xf32>
      %swap3A_139 = vector.shape_cast %get3A_134 : vector<16xf32> to vector<1x16xf32>
      tpu.vector_store %arg10[%swap3A_135, %swap3A_136], %swap3A_139 {strides = array<i32>} : memref<128x64xf32, #tpu.memory_space<vmem>>, vector<1x16xf32>,
      %mul3A_140 = arith.constant 4 : i32
      %mul3A_141 = arith.muli %scan3A_61, %mul3A_140 : i32
      %add3A_142 = arith.constant 2 : i32
      %add3A_143 = arith.addi %mul3A_141, %add3A_142 : i32
      %get3A_144 = arith.index_cast %add3A_143 : i32 to index
      %get3A_145 = arith.constant 0 : index
      %get3A_146 = tpu.vector_load %arg8[%get3A_144, %get3A_145] {strides = array<i32>} : memref<128x128xf32, #tpu.memory_space<vmem>>, vector<1x16xf32>,
      %get3A_147 = vector.shape_cast %get3A_146 : vector<1x16xf32> to vector<16xf32>
      %swap3A_148 = arith.index_cast %add3A_143 : i32 to index
      %swap3A_149 = arith.constant 0 : index
      %swap3A_150 = tpu.vector_load %arg10[%swap3A_148, %swap3A_149] {strides = array<i32>} : memref<128x64xf32, #tpu.memory_space<vmem>>, vector<1x16xf32>,
      %swap3A_151 = vector.shape_cast %swap3A_150 : vector<1x16xf32> to vector<16xf32>
      %swap3A_152 = vector.shape_cast %get3A_147 : vector<16xf32> to vector<1x16xf32>
      tpu.vector_store %arg10[%swap3A_148, %swap3A_149], %swap3A_152 {strides = array<i32>} : memref<128x64xf32, #tpu.memory_space<vmem>>, vector<1x16xf32>,
      %get3A_153 = arith.index_cast %add3A_143 : i32 to index
      %get3A_154 = arith.constant 16 : index
      %get3A_155 = tpu.vector_load %arg8[%get3A_153, %get3A_154] {strides = array<i32>} : memref<128x128xf32, #tpu.memory_space<vmem>>, vector<1x16xf32>,
      %get3A_156 = vector.shape_cast %get3A_155 : vector<1x16xf32> to vector<16xf32>
      %swap3A_157 = arith.index_cast %add3A_143 : i32 to index
      %swap3A_158 = arith.constant 16 : index
      %swap3A_159 = tpu.vector_load %arg10[%swap3A_157, %swap3A_158] {strides = array<i32>} : memref<128x64xf32, #tpu.memory_space<vmem>>, vector<1x16xf32>,
      %swap3A_160 = vector.shape_cast %swap3A_159 : vector<1x16xf32> to vector<16xf32>
      %swap3A_161 = vector.shape_cast %get3A_156 : vector<16xf32> to vector<1x16xf32>
      tpu.vector_store %arg10[%swap3A_157, %swap3A_158], %swap3A_161 {strides = array<i32>} : memref<128x64xf32, #tpu.memory_space<vmem>>, vector<1x16xf32>,
      %get3A_162 = arith.index_cast %add3A_143 : i32 to index
      %get3A_163 = arith.constant 32 : index
      %get3A_164 = tpu.vector_load %arg8[%get3A_162, %get3A_163] {strides = array<i32>} : memref<128x128xf32, #tpu.memory_space<vmem>>, vector<1x16xf32>,
      %get3A_165 = vector.shape_cast %get3A_164 : vector<1x16xf32> to vector<16xf32>
      %swap3A_166 = arith.index_cast %add3A_143 : i32 to index
      %swap3A_167 = arith.constant 32 : index
      %swap3A_168 = tpu.vector_load %arg10[%swap3A_166, %swap3A_167] {strides = array<i32>} : memref<128x64xf32, #tpu.memory_space<vmem>>, vector<1x16xf32>,
      %swap3A_169 = vector.shape_cast %swap3A_168 : vector<1x16xf32> to vector<16xf32>
      %swap3A_170 = vector.shape_cast %get3A_165 : vector<16xf32> to vector<1x16xf32>
      tpu.vector_store %arg10[%swap3A_166, %swap3A_167], %swap3A_170 {strides = array<i32>} : memref<128x64xf32, #tpu.memory_space<vmem>>, vector<1x16xf32>,
      %get3A_171 = arith.index_cast %add3A_143 : i32 to index
      %get3A_172 = arith.constant 48 : index
      %get3A_173 = tpu.vector_load %arg8[%get3A_171, %get3A_172] {strides = array<i32>} : memref<128x128xf32, #tpu.memory_space<vmem>>, vector<1x16xf32>,
      %get3A_174 = vector.shape_cast %get3A_173 : vector<1x16xf32> to vector<16xf32>
      %swap3A_175 = arith.index_cast %add3A_143 : i32 to index
      %swap3A_176 = arith.constant 48 : index
      %swap3A_177 = tpu.vector_load %arg10[%swap3A_175, %swap3A_176] {strides = array<i32>} : memref<128x64xf32, #tpu.memory_space<vmem>>, vector<1x16xf32>,
      %swap3A_178 = vector.shape_cast %swap3A_177 : vector<1x16xf32> to vector<16xf32>
      %swap3A_179 = vector.shape_cast %get3A_174 : vector<16xf32> to vector<1x16xf32>
      tpu.vector_store %arg10[%swap3A_175, %swap3A_176], %swap3A_179 {strides = array<i32>} : memref<128x64xf32, #tpu.memory_space<vmem>>, vector<1x16xf32>,
      %mul3A_180 = arith.constant 4 : i32
      %mul3A_181 = arith.muli %scan3A_61, %mul3A_180 : i32
      %add3A_182 = arith.constant 3 : i32
      %add3A_183 = arith.addi %mul3A_181, %add3A_182 : i32
      %get3A_184 = arith.index_cast %add3A_183 : i32 to index
      %get3A_185 = arith.constant 0 : index
      %get3A_186 = tpu.vector_load %arg8[%get3A_184, %get3A_185] {strides = array<i32>} : memref<128x128xf32, #tpu.memory_space<vmem>>, vector<1x16xf32>,
      %get3A_187 = vector.shape_cast %get3A_186 : vector<1x16xf32> to vector<16xf32>
      %swap3A_188 = arith.index_cast %add3A_183 : i32 to index
      %swap3A_189 = arith.constant 0 : index
      %swap3A_190 = tpu.vector_load %arg10[%swap3A_188, %swap3A_189] {strides = array<i32>} : memref<128x64xf32, #tpu.memory_space<vmem>>, vector<1x16xf32>,
      %swap3A_191 = vector.shape_cast %swap3A_190 : vector<1x16xf32> to vector<16xf32>
      %swap3A_192 = vector.shape_cast %get3A_187 : vector<16xf32> to vector<1x16xf32>
      tpu.vector_store %arg10[%swap3A_188, %swap3A_189], %swap3A_192 {strides = array<i32>} : memref<128x64xf32, #tpu.memory_space<vmem>>, vector<1x16xf32>,
      %get3A_193 = arith.index_cast %add3A_183 : i32 to index
      %get3A_194 = arith.constant 16 : index
      %get3A_195 = tpu.vector_load %arg8[%get3A_193, %get3A_194] {strides = array<i32>} : memref<128x128xf32, #tpu.memory_space<vmem>>, vector<1x16xf32>,
      %get3A_196 = vector.shape_cast %get3A_195 : vector<1x16xf32> to vector<16xf32>
      %swap3A_197 = arith.index_cast %add3A_183 : i32 to index
      %swap3A_198 = arith.constant 16 : index
      %swap3A_199 = tpu.vector_load %arg10[%swap3A_197, %swap3A_198] {strides = array<i32>} : memref<128x64xf32, #tpu.memory_space<vmem>>, vector<1x16xf32>,
      %swap3A_200 = vector.shape_cast %swap3A_199 : vector<1x16xf32> to vector<16xf32>
      %swap3A_201 = vector.shape_cast %get3A_196 : vector<16xf32> to vector<1x16xf32>
      tpu.vector_store %arg10[%swap3A_197, %swap3A_198], %swap3A_201 {strides = array<i32>} : memref<128x64xf32, #tpu.memory_space<vmem>>, vector<1x16xf32>,
      %get3A_202 = arith.index_cast %add3A_183 : i32 to index
      %get3A_203 = arith.constant 32 : index
      %get3A_204 = tpu.vector_load %arg8[%get3A_202, %get3A_203] {strides = array<i32>} : memref<128x128xf32, #tpu.memory_space<vmem>>, vector<1x16xf32>,
      %get3A_205 = vector.shape_cast %get3A_204 : vector<1x16xf32> to vector<16xf32>
      %swap3A_206 = arith.index_cast %add3A_183 : i32 to index
      %swap3A_207 = arith.constant 32 : index
      %swap3A_208 = tpu.vector_load %arg10[%swap3A_206, %swap3A_207] {strides = array<i32>} : memref<128x64xf32, #tpu.memory_space<vmem>>, vector<1x16xf32>,
      %swap3A_209 = vector.shape_cast %swap3A_208 : vector<1x16xf32> to vector<16xf32>
      %swap3A_210 = vector.shape_cast %get3A_205 : vector<16xf32> to vector<1x16xf32>
      tpu.vector_store %arg10[%swap3A_206, %swap3A_207], %swap3A_210 {strides = array<i32>} : memref<128x64xf32, #tpu.memory_space<vmem>>, vector<1x16xf32>,
      %get3A_211 = arith.index_cast %add3A_183 : i32 to index
      %get3A_212 = arith.constant 48 : index
      %get3A_213 = tpu.vector_load %arg8[%get3A_211, %get3A_212] {strides = array<i32>} : memref<128x128xf32, #tpu.memory_space<vmem>>, vector<1x16xf32>,
      %get3A_214 = vector.shape_cast %get3A_213 : vector<1x16xf32> to vector<16xf32>
      %swap3A_215 = arith.index_cast %add3A_183 : i32 to index
      %swap3A_216 = arith.constant 48 : index
      %swap3A_217 = tpu.vector_load %arg10[%swap3A_215, %swap3A_216] {strides = array<i32>} : memref<128x64xf32, #tpu.memory_space<vmem>>, vector<1x16xf32>,
      %swap3A_218 = vector.shape_cast %swap3A_217 : vector<1x16xf32> to vector<16xf32>
      %swap3A_219 = vector.shape_cast %get3A_214 : vector<16xf32> to vector<1x16xf32>
      tpu.vector_store %arg10[%swap3A_215, %swap3A_216], %swap3A_219 {strides = array<i32>} : memref<128x64xf32, #tpu.memory_space<vmem>>, vector<1x16xf32>,
    }
    %scan3A_40 = arith.constant 32 : i32
    %mul3A_41 = arith.constant 102400 : i32
    %mul3A_42 = arith.muli %add3A, %mul3A_41 : i32
    %add3A_43 = arith.constant 102272 : i32
    %add3A_44 = arith.addi %mul3A_42, %add3A_43 : i32
    %dma_start3A_45 = arith.constant 0 : i32
    %dma_start3A_46 = tpu.memref_slice %arg4[%add3A_44, %dma_start3A_45] : memref<3276800x64xf32, #tpu.memory_space<hbm>> -> memref<128x64xf32, #tpu.memory_space<hbm>>
    %dma_start3A_47 = arith.constant 0 : i32
    %dma_start3A_48 = tpu.memref_slice %arg4[%add3A_44, %dma_start3A_47] : memref<3276800x64xf32, #tpu.memory_space<hbm>> -> memref<128x64xf32, #tpu.memory_space<hbm>>
    tpu.enqueue_dma source(%arg10 : memref<128x64xf32, #tpu.memory_space<vmem>>) target(%dma_start3A_48 : memref<128x64xf32, #tpu.memory_space<hbm>>) target_semaphore(%arg16 : memref<!tpu.dma_semaphore, #tpu.memory_space<semaphore_mem>>)
    %mul3A_49 = arith.constant 102400 : i32
    %mul3A_50 = arith.muli %add3A, %mul3A_49 : i32
    %dma_wait3A_51 = arith.constant 0 : i32
    %dma_wait3A_52 = tpu.memref_slice %arg4[%mul3A_50, %dma_wait3A_51] : memref<3276800x64xf32, #tpu.memory_space<hbm>> -> memref<128x64xf32, #tpu.memory_space<hbm>>
    %dma_wait3A_53 = arith.constant 0 : i32
    %dma_wait3A_54 = tpu.memref_slice %arg4[%mul3A_50, %dma_wait3A_53] : memref<3276800x64xf32, #tpu.memory_space<hbm>> -> memref<128x64xf32, #tpu.memory_space<hbm>>
    tpu.wait_dma2 semaphore(%arg15 : memref<!tpu.dma_semaphore, #tpu.memory_space<semaphore_mem>>) src(%arg9 : memref<128x64xf32, #tpu.memory_space<vmem>>) dst(%dma_wait3A_54 : memref<128x64xf32, #tpu.memory_space<hbm>>)
    %mul3A_55 = arith.constant 102400 : i32
    %mul3A_56 = arith.muli %add3A, %mul3A_55 : i32
    %dma_wait3A_57 = arith.constant 0 : i32
    %dma_wait3A_58 = tpu.memref_slice %arg4[%mul3A_56, %dma_wait3A_57] : memref<3276800x64xf32, #tpu.memory_space<hbm>> -> memref<128x64xf32, #tpu.memory_space<hbm>>
    %dma_wait3A_59 = arith.constant 0 : i32
    %dma_wait3A_60 = tpu.memref_slice %arg4[%mul3A_56, %dma_wait3A_59] : memref<3276800x64xf32, #tpu.memory_space<hbm>> -> memref<128x64xf32, #tpu.memory_space<hbm>>
    tpu.wait_dma2 semaphore(%arg16 : memref<!tpu.dma_semaphore, #tpu.memory_space<semaphore_mem>>) src(%arg10 : memref<128x64xf32, #tpu.memory_space<vmem>>) dst(%dma_wait3A_60 : memref<128x64xf32, #tpu.memory_space<hbm>>)
    return
  }
}

</mosaic_0001>

<sc_bundles>
// kernel: kernel.3.cloned.1.call-start
scs
__scs_entry_jumppad:
0x0: {  	(pc) =	sbr.rel $0x88, $3  }
0x1: {  	(tag) =	ssettag $0x0;
	lr =	simm.s32 $0x1  }
0x2: {  	[smem:$0x3F9F] =	sst lr;
	_ =	strace $0xD0000000  }
0x3: {  	_ = 	snop  }
0x4: {  	_ = 	snop  }
0x5: {  	_ = 	snop  }
0x6: {  	_ = 	snop  }
0x7: {  	_ = 	snop  }
__scs_overlays_trampoline_lowered:
0x8: {  	[smem:$0x3FAE] =	sst s0  }
0x9: {  	[smem:$0x3FAF] =	sst s1  }
0xa: {  	[smem:$0x3FB0] =	sst s2  }
0xb: {  	[smem:$0x3FB1] =	sst s3  }
0xc: {  	[smem:$0x3FB2] =	sst s4  }
0xd: {  	[smem:$0x3FB3] =	sst s5  }
0xe: {  	[smem:$0x3FB4] =	sst s6  }
0xf: {  	[smem:$0x3FB5] =	sst s7  }
0x10: {  	[smem:$0x3FB6] =	sst s8  }
0x11: {  	[smem:$0x3FB7] =	sst s9;
	s0 =	simm.s32 @!p0 $0x0  }
0x12: {  	s1 =	sld [smem:$0x3F9D];
	s0 =	simm.s32 @p0 $0x1  }
0x13: {  	[smem:$0x3FB8] =	sst s0;
	s0 =	simm.s32 @!p1 $0x0  }
0x14: {  	s2 =	sld [smem:$0x3F9C];
	s0 =	simm.s32 @p1 $0x1  }
0x15: {  	[smem:$0x3FB9] =	sst s0;
	s0 =	simm.s32 @!p2 $0x0  }
0x16: {  	s3 =	sld [smem:$0x3FDB];
	s0 =	simm.s32 @p2 $0x1  }
0x17: {  	s4 =	simm.s32 $0x1BF5;
	[smem:$0x3FBB] =	sst s0  }
0x18: {  	s0 =	sld [smem:$0x3F9E];
	_ =	swait.ge [sflag:s4], $0x0  }
0x19: {  	s7 =	sld [smem:$0x3F9F]  }
0x1a: {  	s8 =	sadd.s32 $0xFFFFE003, lr  }
0x1b: {  	s9 =	sadd.s32 $0xFFFFFEF7, lr;
	s5 =	simm.s32 $0xFFFFFFFF;
	p2 =	slt.u32 s8, $0xFFFFF086  }
0x1c: {  	p1 =	slt.u32 s9, $0xF7A;
	s5 =	simm.s32 @!p2 $0x0  }
0x1d: {  	s5 =	simm.s32 @p1 $0x1;
	p0 =	seq.s32 s7, s2  }
0x1e: {  	s7 =	smul.u32 @!p0 $0xF7A, s2;
	p2 =	seq.s32 @!p0 s5, $0x0  }
0x1f: {  	s9 =	smul.u32 $0xF7A, s1;
	s8 =	simm.s32 @!p0 $0x1BF5;
	p2 =	por !p2, p0  }
0x20: {  	[sflag:s8] =	ssyncset.s32 @!p0 $0xFFFFF086;
	s6 =	sadd.s32 @!p0 s3, s7;
	s7 =	simm.s32 @!p0 $0x108  }
0x21: {  	s3 =	sadd.s32 s3, s9;
	s6 =	sadd.s32 @!p0 $0x88, s6;
	s7 =	simm.s32 @p2 $0x1082  }
0x22: {  	[simem:s7], [sflag:s8] =	dma.local @!p0 [hbm:s6], $0xF7A  }
0x23: {  	s9 =	sor.u32 $0xD0000000, s2;
	s6 =	simm.s32 $0x108;
	_ =	swait.ge @!p0 [sflag:s8], $0x0  }
0x24: {  	s3 =	sadd.s32 $0x88, s3;
	s6 =	simm.s32 @!p1 $0x1082;
	[sflag:s4] =	ssyncset.s32 $0xFFFFF086  }
0x25: {  	[simem:s6], [sflag:s4] =	dma.local [hbm:s3], $0xF7A  }
0x26: {  	[smem:$0x3F9F] =	sst s1;
	(tag) =	ssettag s2;
	_ =	strace s9  }
0x27: {  	s1 =	sld [smem:$0x3FAF]  }
0x28: {  	s2 =	sld [smem:$0x3FB0]  }
0x29: {  	s4 =	sld [smem:$0x3FB2]  }
0x2a: {  	p0 =	seq.s32 s5, $0x0;
	s5 =	sld [smem:$0x3FB3]  }
0x2b: {  	s6 =	sld [smem:$0x3FB4]  }
0x2c: {  	s7 =	sld [smem:$0x3FB5]  }
0x2d: {  	s3 =	simm.s32 $0x108;
	s8 =	sld [smem:$0x3FB6]  }
0x2e: {  	s3 =	simm.s32 @!p0 $0x1082;
	s9 =	sld [smem:$0x3FB7]  }
0x2f: {  	lr =	sadd.s32 s0, s3;
	s0 =	sld [smem:$0x3FAE]  }
0x30: {  	s3 =	sld [smem:$0x3FB1]  }
0x31: {  	[smem:$0x3FBA] =	sst s10  }
0x32: {  	s10 =	sld [smem:$0x3FB8];
	_ =	sdelay $0x3  }
0x33: {  	p0 =	seq.s32 s10, $0x1;
	s10 =	sld [smem:$0x3FBA];
	_ =	sdelay $0x3  }
0x34: {  	[smem:$0x3FBA] =	sst s10  }
0x35: {  	s10 =	sld [smem:$0x3FB9];
	_ =	sdelay $0x3  }
0x36: {  	p1 =	seq.s32 s10, $0x1;
	s10 =	sld [smem:$0x3FBA];
	_ =	sdelay $0x3  }
0x37: {  	[smem:$0x3FBA] =	sst s10  }
0x38: {  	s10 =	sld [smem:$0x3FBB]  }
0x39: {  	_ = 	snop;
	(pc) =	sbr.ind lr, $3  }
0x3a: {  	_ = 	snop  }
0x3b: {  	_ = 	snop  }
0x3c: {  	p2 =	seq.s32 s10, $0x1;
	s10 =	sld [smem:$0x3FBA]  }
0x3d: {  	_ =	shalt  }
0x3e: {  	_ =	shalt  }
0x3f: {  	_ =	shalt  }
0x40: {  	_ =	shalt  }
0x41: {  	_ =	shalt  }
0x42: {  	_ =	shalt  }
0x43: {  	_ =	shalt  }
0x44: {  	_ =	shalt  }
0x45: {  	_ =	shalt  }
0x46: {  	_ =	shalt  }
0x47: {  	_ =	shalt  }
0x48: {  	_ =	shalt  }
0x49: {  	_ =	shalt  }
0x4a: {  	_ =	shalt  }
0x4b: {  	_ =	shalt  }
0x4c: {  	_ =	shalt  }
0x4d: {  	_ =	shalt  }
0x4e: {  	_ =	shalt  }
0x4f: {  	_ =	shalt  }
0x50: {  	_ =	shalt  }
0x51: {  	_ =	shalt  }
0x52: {  	_ =	shalt  }
0x53: {  	_ =	shalt  }
0x54: {  	_ =	shalt  }
0x55: {  	_ =	shalt  }
0x56: {  	_ =	shalt  }
0x57: {  	_ =	shalt  }
0x58: {  	_ =	shalt  }
0x59: {  	_ =	shalt  }
0x5a: {  	_ =	shalt  }
0x5b: {  	_ =	shalt  }
0x5c: {  	_ =	shalt  }
0x5d: {  	_ =	shalt  }
0x5e: {  	_ =	shalt  }
0x5f: {  	_ =	shalt  }
0x60: {  	_ =	shalt  }
0x61: {  	_ =	shalt  }
0x62: {  	_ =	shalt  }
0x63: {  	_ =	shalt  }
0x64: {  	_ =	shalt  }
0x65: {  	_ =	shalt  }
0x66: {  	_ =	shalt  }
0x67: {  	_ =	shalt  }
0x68: {  	_ =	shalt  }
0x69: {  	_ =	shalt  }
0x6a: {  	_ =	shalt  }
0x6b: {  	_ =	shalt  }
0x6c: {  	_ =	shalt  }
0x6d: {  	_ =	shalt  }
0x6e: {  	_ =	shalt  }
0x6f: {  	_ =	shalt  }
0x70: {  	_ =	shalt  }
0x71: {  	_ =	shalt  }
0x72: {  	_ =	shalt  }
0x73: {  	_ =	shalt  }
0x74: {  	_ =	shalt  }
0x75: {  	_ =	shalt  }
0x76: {  	_ =	shalt  }
0x77: {  	_ =	shalt  }
0x78: {  	_ =	shalt  }
0x79: {  	_ =	shalt  }
0x7a: {  	_ =	shalt  }
0x7b: {  	_ =	shalt  }
0x7c: {  	_ =	shalt  }
0x7d: {  	_ =	shalt  }
0x7e: {  	_ =	shalt  }
0x7f: {  	_ =	shalt  }
0x80: {  	_ =	shalt  }
0x81: {  	_ =	shalt  }
0x82: {  	_ =	shalt  }
0x83: {  	_ =	shalt  }
0x84: {  	_ =	shalt  }
0x85: {  	_ =	shalt  }
0x86: {  	_ =	shalt  }
0x87: {  	_ =	shalt  }
.Lfunc_end0:
.L_simem_size_0:
called_computation.1_lowered:
.L_overlay_start_0:
0x88: {  	s2 =	sld [smem:$0x3FD9]  }
0x89: {  	s3 =	sld [smem:$0x3FFE];
	_ =	sdelay $0x1  }
0x8a: {  	s1 =	srdreg.scid  }
0x8b: {  	s0 =	sand.u32 $0x1, s1  }
0x8c: {  	s17 =	sshll.u32 s0, $0xA;
	s2 =	sadd.s32 s3, s2  }
0x8d: {  	s2 =	sadd.s32 s2, s17  }
0x8e: {  	[smem:$0x3FC6] =	sst s2  }
0x8f: {  	_ = 	snop  }
0x90: {  	s2 =	sld [smem:$0x3FD0];
	(tm) =	ssettm $0x1  }
0x91: {  	s18 =	sld [smem:$0x3FFB];
	_ =	sdelay $0x3  }
0x92: {  	_ =	strace s18  }
0x93: {  	s3 =	sld [smem:$0x3FFC];
	_ =	sdelay $0x3  }
0x94: {  	_ =	strace s3  }
0x95: {  	s3 =	sld [smem:$0x3FFD];
	_ =	sdelay $0x3  }
0x96: {  	_ =	strace s3  }
0x97: {  	_ =	strace $0x8FFFFFFF  }
0x98: {  	s19 =	sld [smem:$0x3FDB];
	_ =	sdelay $0x1  }
0x99: {  	s4 =	simm.s32 $_scs_section_size  }
0x9a: {  	s5 =	simm.s32 $_size__tile_overlayer_lowered;
	s6 =	simm.s32 $_tile_overlayer_lowered  }
0x9b: {  	s22 =	simm.s32 $0x1BFF;
	s21 =	sshll.u32 s6, $0x1;
	s3 =	sadd.s32 s4, s19  }
0x9c: {  	s7 =	simm.s32 $0x0;
	s20 =	sshll.u32 s5, $0x1;
	s5 =	sadd.s32 s21, s3  }
0x9d: {  	[timem:s7], [sflag:s22] =	dma.local [hbm:s5], s20  }
0x9e: {  	_ =	swait.ge [sflag:s22], s20  }
0x9f: {  	s4 =	ssub.s32 $0x0, s20;
	[sflag:s22] =	ssyncset.done $0x0  }
0xa0: {  	[sflag:s22] =	ssyncadd.s32 s4;
	_ =	sdelay $0x1  }
0xa1: {  	s23 =	simm.s32 $0x1B8B  }
0xa2: {  	_ =	swait.ge [sflag:s23], $0x1  }
0xa3: {  	[sflag:s23] =	ssyncset.done $0x0  }
0xa4: {  	s25 =	simm.s32 $0x1B8E;
	s24 =	sld [smem:$0x3FFE];
	[sflag:s23] =	ssyncadd.s32 $0xFFFFFFFF  }
0xa5: {  	s26 =	simm.s32 $execute0_lowered;
	[smem:$0x3FD2] =	sst s25  }
0xa6: {  	s5 =	sshll.u32 s26, $0x1;
	_ =	strace $0x80000046;
	[dreg:$0x1] =	wrdreg $0xFFFFFFFF  }
0xa7: {  	s28 =	simm.s32 $_size_execute0_lowered;
	s3 =	sadd.s32 s3, s5;
	[dreg:$0x0] =	wrdreg $0x0  }
0xa8: {  	s5 =	sshll.u32 s28, $0x1;
	[dreg:$0x2] =	wrdreg s3  }
0xa9: {  	[dreg:$0x3] =	wrdreg s5  }
0xaa: {  	[dreg:$0x4] =	wrdreg $0xC0  }
0xab: {  	_ =	task [dreg:s7], $0x5FFFF  }
0xac: {  	[dreg:$0x1] =	wrdreg $0xFFFFFFFF  }
0xad: {  	[dreg:$0x0] =	wrdreg $0x60  }
0xae: {  	[dreg:$0x2] =	wrdreg s2  }
0xaf: {  	[dreg:$0x3] =	wrdreg s24  }
0xb0: {  	[dreg:$0x4] =	wrdreg $0x9  }
0xb1: {  	_ =	task.clear_ibuf [dreg:s7], $0x5FFFF;
	_ =	strace $0x90000046  }
0xb2: {  	s29 =	simm.s32 $0x9;
	_ =	strace $0x80000048  }
0xb3: {  	_ =	swait.ge [sflag:s29], $0x1  }
0xb4: {  	[sflag:s29] =	ssyncadd.s32 $0xFFFFFFFF  }
0xb5: {  	_ =	strace $0x90000048  }
0xb6: {  	_ =	sfence  }
0xb7: {  	s30 =	sld [smem:$0x0];
	_ =	sdelay $0x2  }
0xb8: {  	s31 =	sshll.u32 s1, $0xD;
	s1 =	sshrl.u32 s1, $0x2  }
0xb9: {  	s3 =	sand.u32 $0x4000, s31;
	s1 =	sadd.s32 s1, s30  }
0xba: {  	s0 =	sor.u32 s3, s0;
	s1 =	sshll.u32 s1, $0x11  }
0xbb: {  	s0 =	sor.u32 s1, s0  }
0xbc: {  	s0 =	sadd.s32 $0x8F2B, s0  }
0xbd: {  	[sflag:s0] =	ssyncadd.remote.s32 $0x1  }
0xbe: {  	_ =	sfence.sel $0xFFFF  }
0xbf: {  	[dreg:$0x0] =	wrdreg $0xFFFFFFFF;
	(pc) =	sbr.abs _section_cstart, $3  }
0xc0: {  	[dreg:$0x1] =	wrdreg $0xFFFFFFFF  }
0xc1: {  	_ =	task.clear_ibuf [dreg:s7], $0x2FFFF;
	_ =	strace $0x9FFFFFFF  }
0xc2: {  	(tm) =	ssettm $0x7FFFFFFF  }
0xc3: {  	_ =	shalt  }
tec
execute0_lowered:
.L_overlay_start_1:
0x0: {  	(tag) =	ssettag $0x1  }
0x1: {  	s2 =	rddreg [dreg:$0x0];
	s1 =	srdreg.scid  }
0x2: {  	s0 =	stileid.u32;
	s6 =	rddreg [dreg:$0x1]  }
0x3: {  	s3 =	simm.s32 $0x0;
	s14 =	simm.s32 $0x80;
	s15 =	simm.s32 $0x1  }
0x4: {  	s16 =	simm.s32 $0x100;
	s17 =	simm.s32 $0x2;
	s18 =	simm.s32 $0x4100  }
0x5: {  	s19 =	simm.s32 $0x3;
	s20 =	simm.s32 $0x8100;
	s21 =	simm.s32 $0x6  }
0x6: {  	s22 =	simm.s32 $0x4;
	s23 =	simm.s32 $0xC100;
	s24 =	simm.s32 $0x5  }
0x7: {  	s5 =	sand.u32 $0x1, s1;
	s4 =	sshll.u32 s0, $0x1;
	s1 =	rddreg [dreg:$0x2]  }
0x8: {  	s25 =	simm.s32 $0x0;
	[smem:$0x7FF] =	sst s3;
	s7 =	sor.u32 s5, s4  }
0x9: {  	_ =	strace $0x80000047;
	s8 =	ssub.s32 $0x2, s5;
	s11 =	smul.u32 $0x19000, s7  }
0xa: {  	s4 =	sadd.s32 $0x800, s6;
	s5 =	smul.u32 $0xC80000, s7;
	s10 =	sshrl.u32 s8, $0x1  }
0xb: {  	s6 =	sadd.s32 $0x4A00, s6;
	s13 =	ssub.s32 s8, s10;
	s9 =	sshrl.u32 s11, $0x3  }
0xc: {  	s12 =	sshrl.u32 s5, $0x3;
	s10 =	sor.u32 $0x80, s11;
	s13 =	smax.u32 s13, $0x1  }
0xd: {  	s7 =	sadd.s32 s2, s9;
	s9 =	sadd.s32 $0xFFFFFF80, s11;
	s12 =	sadd.s32 s6, s12  }
0xe: {  	s11 =	sor.u32 $0x100, s11;
	s8 =	sadd.s32 $0x10, s7;
	s12 =	sadd.s32 $0x18F800, s12  }
.LBB2_1:
0xf: {  	[tilespmem:s3], [sflag:$0x1] =	stream.linear.gather [hbm4b:s7+s3], $0x80, $0x38;
	[tilespmem:$0x10100] =	vst v63  }
0x10: {  	s26 =	simm.s32 $0x0  }
0x11: {  	[tilespmem:s14], [sflag:$0x2] =	stream.linear.gather [hbm4b:s8+s3], $0x80, $0x38;
	[tilespmem:$0x10100] =	vst v63  }
.LBB2_2:
0x12: {  	p0 =	seq.s32 s26, $0x0  }
.Ltmp0:
0x13: {  	_ = 	snop;
	(pc) =	sbr.rel @p0 .LBB2_6-.Ltmp0, $4  }
0x14: {  	_ =	swait.ge [sflag:s15], $0x80  }
0x15: {  	[sflag:s15] =	ssyncset.done $0x0  }
0x16: {  	s28 =	sshll.u32 s26, $0x8;
	[sflag:s15] =	ssyncadd.s32 $0xFFFFFF80  }
0x17: {  	[tilespmem:s16], [sflag:$0x3] =	stream.indirect.gather [hbm4b:s4+s14], $0x80, s3, s14, $0xb8;
	[tilespmem:$0x10100] =	vst v63  }
0x18: {  	p0 =	seq.s32 s26, $0x1  }
0x19: {  	s29 =	simm.s32 @!p0 $0x6  }
0x1a: {  	_ =	swait.ge @!p0 [sflag:s29], $0x4000  }
0x1b: {  	[sflag:s29] =	ssyncset.done @!p0 $0x0  }
0x1c: {  	[sflag:s29] =	ssyncadd.s32 @!p0 $0xFFFFC000  }
0x1d: {  	_ =	swait.ge [sflag:s22], $0x4000  }
0x1e: {  	[sflag:s22] =	ssyncset.done $0x0  }
0x1f: {  	s29 =	simm.s32 $0x0;
	[sflag:s22] =	ssyncadd.s32 $0xFFFFC000  }
0x20: {  	v0 =	vld [tilespmem:s29+$0x42B0]  }
0x21: {  	v1 =	vld [tilespmem:s29+$0x4100]  }
0x22: {  	v2 =	vld [tilespmem:s29+$0x4110]  }
0x23: {  	v3 =	vld [tilespmem:s29+$0x4120]  }
0x24: {  	v4 =	vld [tilespmem:s29+$0x4130]  }
0x25: {  	v5 =	vld [tilespmem:s29+$0x4180];
	[tilespmem:s29+$0xC2B0] =	vst v0  }
0x26: {  	[tilespmem:s29+$0xC100] =	vst v1;
	v0 =	vld [tilespmem:s29+$0x4190]  }
0x27: {  	[tilespmem:s29+$0xC110] =	vst v2;
	v1 =	vld [tilespmem:s29+$0x41A0]  }
0x28: {  	[tilespmem:s29+$0xC120] =	vst v3;
	v2 =	vld [tilespmem:s29+$0x41B0]  }
0x29: {  	[tilespmem:s29+$0xC130] =	vst v4;
	v3 =	vld [tilespmem:s29+$0x4200]  }
0x2a: {  	[tilespmem:s29+$0xC180] =	vst v5;
	v4 =	vld [tilespmem:s29+$0x4210]  }
0x2b: {  	[tilespmem:s29+$0xC190] =	vst v0;
	v0 =	vld [tilespmem:s29+$0x4220]  }
0x2c: {  	[tilespmem:s29+$0xC1A0] =	vst v1;
	v1 =	vld [tilespmem:s29+$0x4230]  }
0x2d: {  	[tilespmem:s29+$0xC1B0] =	vst v2;
	v2 =	vld [tilespmem:s29+$0x4280]  }
0x2e: {  	[tilespmem:s29+$0xC200] =	vst v3;
	v3 =	vld [tilespmem:s29+$0x4290]  }
0x2f: {  	s30 =	simm.s32 $0x200;
	s31 =	simm.s32 $0x1000;
	[tilespmem:s29+$0xC210] =	vst v4;
	v4 =	vld [tilespmem:s29+$0x42A0]  }
.LBB2_4:
0x30: {  	p0 =	sne.s32 s31, $0xF800;
	v5 =	vld [tilespmem:s30+$0x42B0];
	[tilespmem:s29+$0xC220] =	vst v0  }
0x31: {  	v0 =	vld [tilespmem:s30+$0x4100];
	[tilespmem:s29+$0xC230] =	vst v1  }
0x32: {  	v1 =	vld [tilespmem:s30+$0x4110];
	[tilespmem:s29+$0xC280] =	vst v2  }
0x33: {  	v2 =	vld [tilespmem:s30+$0x4120];
	[tilespmem:s29+$0xC290] =	vst v3  }
0x34: {  	v3 =	vld [tilespmem:s30+$0x4130];
	[tilespmem:s29+$0xC2A0] =	vst v4;
	s29 =	smov.u32 s30  }
0x35: {  	v4 =	vld [tilespmem:s29+$0x4180];
	[tilespmem:s29+$0xC2B0] =	vst v5  }
0x36: {  	[tilespmem:s29+$0xC100] =	vst v0;
	v0 =	vld [tilespmem:s29+$0x4190]  }
0x37: {  	[tilespmem:s29+$0xC110] =	vst v1;
	v1 =	vld [tilespmem:s29+$0x41A0]  }
0x38: {  	[tilespmem:s29+$0xC120] =	vst v2;
	v2 =	vld [tilespmem:s29+$0x41B0]  }
0x39: {  	[tilespmem:s29+$0xC130] =	vst v3;
	v3 =	vld [tilespmem:s29+$0x4200]  }
0x3a: {  	[tilespmem:s29+$0xC180] =	vst v4;
	v4 =	vld [tilespmem:s29+$0x4210]  }
.Ltmp1:
0x3b: {  	[tilespmem:s29+$0xC190] =	vst v0;
	v0 =	vld [tilespmem:s29+$0x4220];
	(pc) =	sbr.rel @p0 .LBB2_4-.Ltmp1, $4  }
0x3c: {  	[tilespmem:s29+$0xC1A0] =	vst v1;
	v1 =	vld [tilespmem:s29+$0x4230]  }
0x3d: {  	[tilespmem:s29+$0xC1B0] =	vst v2;
	v2 =	vld [tilespmem:s29+$0x4280]  }
0x3e: {  	[tilespmem:s29+$0xC200] =	vst v3;
	v3 =	vld [tilespmem:s29+$0x4290]  }
0x3f: {  	s30 =	sshra.s32 s31, $0x2;
	s31 =	sadd.s32 $0x800, s31;
	[tilespmem:s29+$0xC210] =	vst v4;
	v4 =	vld [tilespmem:s29+$0x42A0]  }
0x40: {  	v5 =	vld [tilespmem:s30+$0x42B0];
	[tilespmem:s29+$0xC220] =	vst v0  }
0x41: {  	v0 =	vld [tilespmem:s30+$0x4100];
	[tilespmem:s29+$0xC230] =	vst v1  }
0x42: {  	v1 =	vld [tilespmem:s30+$0x4110];
	[tilespmem:s29+$0xC280] =	vst v2  }
0x43: {  	v2 =	vld [tilespmem:s30+$0x4120];
	[tilespmem:s29+$0xC290] =	vst v3  }
0x44: {  	v3 =	vld [tilespmem:s30+$0x4130];
	[tilespmem:s29+$0xC2A0] =	vst v4  }
0x45: {  	v4 =	vld [tilespmem:s30+$0x4180];
	[tilespmem:s30+$0xC2B0] =	vst v5  }
0x46: {  	v54 =	vld [tilespmem:s30+$0x4190];
	[tilespmem:s30+$0xC100] =	vst v0  }
0x47: {  	v55 =	vld [tilespmem:s30+$0x41A0];
	[tilespmem:s30+$0xC110] =	vst v1  }
0x48: {  	v56 =	vld [tilespmem:s30+$0x41B0];
	[tilespmem:s30+$0xC120] =	vst v2  }
0x49: {  	v57 =	vld [tilespmem:s30+$0x4200];
	[tilespmem:s30+$0xC130] =	vst v3  }
0x4a: {  	v58 =	vld [tilespmem:s30+$0x4210];
	[tilespmem:s30+$0xC180] =	vst v4  }
0x4b: {  	v59 =	vld [tilespmem:s30+$0x4220];
	[tilespmem:s30+$0xC190] =	vst v54  }
0x4c: {  	v60 =	vld [tilespmem:s30+$0x4230];
	[tilespmem:s30+$0xC1A0] =	vst v55  }
0x4d: {  	v61 =	vld [tilespmem:s30+$0x4280];
	[tilespmem:s30+$0xC1B0] =	vst v56  }
0x4e: {  	v62 =	vld [tilespmem:s30+$0x4290];
	[tilespmem:s30+$0xC200] =	vst v57  }
0x4f: {  	v63 =	vld [tilespmem:s30+$0x42A0];
	[tilespmem:s30+$0xC210] =	vst v58  }
0x50: {  	[tilespmem:s30+$0xC220] =	vst v59  }
0x51: {  	[tilespmem:s30+$0xC230] =	vst v60  }
0x52: {  	s31 =	sadd.s32 s28, s9;
	[tilespmem:s30+$0xC280] =	vst v61  }
0x53: {  	s29 =	sshll.u32 s31, $0x4;
	[tilespmem:s30+$0xC290] =	vst v62  }
0x54: {  	s31 =	sadd.s32 s28, s10;
	s29 =	sadd.s32 s6, s29;
	[tilespmem:s30+$0xC2A0] =	vst v63  }
0x55: {  	[hbm4b:s29+s3] =	stream.linear.scatter [tilespmem:s23], [sflag:$0x6], $0x4000, $0x38;
	[tilespmem:$0x10100] =	vst v63  }
0x56: {  	s29 =	sshrl.u32 s31, $0x3  }
0x57: {  	s29 =	sadd.s32 s2, s29  }
0x58: {  	[tilespmem:s14], [sflag:$0x2] =	stream.linear.gather [hbm4b:s29+s3], $0x80, $0x38;
	[tilespmem:$0x10100] =	vst v63  }
0x59: {  	_ =	swait.ge [sflag:s17], $0x80  }
0x5a: {  	[sflag:s17] =	ssyncset.done $0x0  }
.Ltmp2:
0x5b: {  	[sflag:s17] =	ssyncadd.s32 $0xFFFFFF80;
	(pc) =	sbr.rel .LBB2_7-.Ltmp2, $4  }
0x5c: {  	[tilespmem:s18], [sflag:$0x4] =	stream.indirect.gather [hbm4b:s4+s14], $0x80, s14, s14, $0xb8;
	[tilespmem:$0x10100] =	vst v63  }
0x5d: {  	_ =	swait.ge [sflag:s24], $0x4000  }
0x5e: {  	[sflag:s24] =	ssyncset.done $0x0  }
0x5f: {  	[sflag:s24] =	ssyncadd.s32 $0xFFFFC000  }
.LBB2_6:
0x60: {  	_ =	swait.ge [sflag:s17], $0x80  }
0x61: {  	[sflag:s17] =	ssyncset.done $0x0  }
0x62: {  	[sflag:s17] =	ssyncadd.s32 $0xFFFFFF80  }
0x63: {  	[tilespmem:s18], [sflag:$0x4] =	stream.indirect.gather [hbm4b:s4+s14], $0x80, s14, s14, $0xb8;
	[tilespmem:$0x10100] =	vst v63  }
.LBB2_7:
0x64: {  	_ =	swait.ge [sflag:s19], $0x4000  }
0x65: {  	[sflag:s19] =	ssyncset.done $0x0  }
0x66: {  	s29 =	simm.s32 $0x0;
	[sflag:s19] =	ssyncadd.s32 $0xFFFFC000  }
0x67: {  	v0 =	vld [tilespmem:s29+$0x2B0]  }
0x68: {  	v1 =	vld [tilespmem:s29+$0x100]  }
0x69: {  	v2 =	vld [tilespmem:s29+$0x110]  }
0x6a: {  	v3 =	vld [tilespmem:s29+$0x120]  }
0x6b: {  	v4 =	vld [tilespmem:s29+$0x130]  }
0x6c: {  	v5 =	vld [tilespmem:s29+$0x180];
	[tilespmem:s29+$0x82B0] =	vst v0  }
0x6d: {  	[tilespmem:s29+$0x8100] =	vst v1;
	v0 =	vld [tilespmem:s29+$0x190]  }
0x6e: {  	[tilespmem:s29+$0x8110] =	vst v2;
	v1 =	vld [tilespmem:s29+$0x1A0]  }
0x6f: {  	[tilespmem:s29+$0x8120] =	vst v3;
	v2 =	vld [tilespmem:s29+$0x1B0]  }
0x70: {  	[tilespmem:s29+$0x8130] =	vst v4;
	v3 =	vld [tilespmem:s29+$0x200]  }
0x71: {  	[tilespmem:s29+$0x8180] =	vst v5;
	v4 =	vld [tilespmem:s29+$0x210]  }
0x72: {  	[tilespmem:s29+$0x8190] =	vst v0;
	v0 =	vld [tilespmem:s29+$0x220]  }
0x73: {  	[tilespmem:s29+$0x81A0] =	vst v1;
	v1 =	vld [tilespmem:s29+$0x230]  }
0x74: {  	[tilespmem:s29+$0x81B0] =	vst v2;
	v2 =	vld [tilespmem:s29+$0x280]  }
0x75: {  	[tilespmem:s29+$0x8200] =	vst v3;
	v3 =	vld [tilespmem:s29+$0x290]  }
0x76: {  	s30 =	simm.s32 $0x200;
	s31 =	simm.s32 $0x1000;
	[tilespmem:s29+$0x8210] =	vst v4;
	v4 =	vld [tilespmem:s29+$0x2A0]  }
.LBB2_8:
0x77: {  	p0 =	sne.s32 s31, $0xF800;
	v5 =	vld [tilespmem:s30+$0x2B0];
	[tilespmem:s29+$0x8220] =	vst v0  }
0x78: {  	v0 =	vld [tilespmem:s30+$0x100];
	[tilespmem:s29+$0x8230] =	vst v1  }
0x79: {  	v1 =	vld [tilespmem:s30+$0x110];
	[tilespmem:s29+$0x8280] =	vst v2  }
0x7a: {  	v2 =	vld [tilespmem:s30+$0x120];
	[tilespmem:s29+$0x8290] =	vst v3  }
0x7b: {  	v3 =	vld [tilespmem:s30+$0x130];
	[tilespmem:s29+$0x82A0] =	vst v4;
	s29 =	smov.u32 s30  }
0x7c: {  	v4 =	vld [tilespmem:s29+$0x180];
	[tilespmem:s29+$0x82B0] =	vst v5  }
0x7d: {  	[tilespmem:s29+$0x8100] =	vst v0;
	v0 =	vld [tilespmem:s29+$0x190]  }
0x7e: {  	[tilespmem:s29+$0x8110] =	vst v1;
	v1 =	vld [tilespmem:s29+$0x1A0]  }
0x7f: {  	[tilespmem:s29+$0x8120] =	vst v2;
	v2 =	vld [tilespmem:s29+$0x1B0]  }
0x80: {  	[tilespmem:s29+$0x8130] =	vst v3;
	v3 =	vld [tilespmem:s29+$0x200]  }
0x81: {  	[tilespmem:s29+$0x8180] =	vst v4;
	v4 =	vld [tilespmem:s29+$0x210]  }
.Ltmp3:
0x82: {  	[tilespmem:s29+$0x8190] =	vst v0;
	v0 =	vld [tilespmem:s29+$0x220];
	(pc) =	sbr.rel @p0 .LBB2_8-.Ltmp3, $4  }
0x83: {  	[tilespmem:s29+$0x81A0] =	vst v1;
	v1 =	vld [tilespmem:s29+$0x230]  }
0x84: {  	[tilespmem:s29+$0x81B0] =	vst v2;
	v2 =	vld [tilespmem:s29+$0x280]  }
0x85: {  	[tilespmem:s29+$0x8200] =	vst v3;
	v3 =	vld [tilespmem:s29+$0x290]  }
0x86: {  	s30 =	sshra.s32 s31, $0x2;
	s31 =	sadd.s32 $0x800, s31;
	[tilespmem:s29+$0x8210] =	vst v4;
	v4 =	vld [tilespmem:s29+$0x2A0]  }
0x87: {  	v5 =	vld [tilespmem:s30+$0x2B0];
	[tilespmem:s29+$0x8220] =	vst v0  }
0x88: {  	v0 =	vld [tilespmem:s30+$0x100];
	[tilespmem:s29+$0x8230] =	vst v1  }
0x89: {  	v1 =	vld [tilespmem:s30+$0x110];
	[tilespmem:s29+$0x8280] =	vst v2  }
0x8a: {  	v2 =	vld [tilespmem:s30+$0x120];
	[tilespmem:s29+$0x8290] =	vst v3  }
0x8b: {  	v3 =	vld [tilespmem:s30+$0x130];
	[tilespmem:s29+$0x82A0] =	vst v4  }
0x8c: {  	v4 =	vld [tilespmem:s30+$0x180];
	[tilespmem:s30+$0x82B0] =	vst v5  }
0x8d: {  	v54 =	vld [tilespmem:s30+$0x190];
	[tilespmem:s30+$0x8100] =	vst v0  }
0x8e: {  	v55 =	vld [tilespmem:s30+$0x1A0];
	[tilespmem:s30+$0x8110] =	vst v1  }
0x8f: {  	v56 =	vld [tilespmem:s30+$0x1B0];
	[tilespmem:s30+$0x8120] =	vst v2  }
0x90: {  	v57 =	vld [tilespmem:s30+$0x200];
	[tilespmem:s30+$0x8130] =	vst v3  }
0x91: {  	v58 =	vld [tilespmem:s30+$0x210];
	[tilespmem:s30+$0x8180] =	vst v4  }
0x92: {  	v59 =	vld [tilespmem:s30+$0x220];
	[tilespmem:s30+$0x8190] =	vst v54  }
0x93: {  	v60 =	vld [tilespmem:s30+$0x230];
	[tilespmem:s30+$0x81A0] =	vst v55  }
0x94: {  	v61 =	vld [tilespmem:s30+$0x280];
	[tilespmem:s30+$0x81B0] =	vst v56  }
0x95: {  	v62 =	vld [tilespmem:s30+$0x290];
	[tilespmem:s30+$0x8200] =	vst v57  }
0x96: {  	v63 =	vld [tilespmem:s30+$0x2A0];
	[tilespmem:s30+$0x8210] =	vst v58  }
0x97: {  	p0 =	seq.s32 s26, $0x18F;
	[tilespmem:s30+$0x8220] =	vst v59  }
.Ltmp4:
0x98: {  	s31 =	sshll.u32 s26, $0xF;
	[tilespmem:s30+$0x8230] =	vst v60;
	(pc) =	sbr.rel @p0 .LBB2_11-.Ltmp4, $4  }
0x99: {  	s29 =	sadd.s32 s5, s31;
	[tilespmem:s30+$0x8280] =	vst v61  }
0x9a: {  	s29 =	sshrl.u32 s29, $0x3;
	[tilespmem:s30+$0x8290] =	vst v62  }
0x9b: {  	s29 =	sadd.s32 s6, s29;
	[tilespmem:s30+$0x82A0] =	vst v63  }
0x9c: {  	[hbm4b:s29+s3] =	stream.linear.scatter [tilespmem:s20], [sflag:$0x5], $0x4000, $0x38;
	[tilespmem:$0x10100] =	vst v63  }
.Ltmp5:
0x9d: {  	(pc) =	sbr.rel .LBB2_2-.Ltmp5, $4  }
0x9e: {  	s28 =	sadd.s32 s28, s11  }
0x9f: {  	s28 =	sshrl.u32 s28, $0x3  }
0xa0: {  	s26 =	sadd.s32 $0x1, s26;
	s28 =	sadd.s32 s2, s28  }
0xa1: {  	[tilespmem:s3], [sflag:$0x1] =	stream.linear.gather [hbm4b:s28+s3], $0x80, $0x38;
	[tilespmem:$0x10100] =	vst v63  }
.LBB2_11:
0xa2: {  	_ =	swait.ge [sflag:s21], $0x4000  }
0xa3: {  	[sflag:s21] =	ssyncset.done $0x0  }
0xa4: {  	[sflag:s21] =	ssyncadd.s32 $0xFFFFC000  }
0xa5: {  	_ =	swait.ge [sflag:s22], $0x4000  }
0xa6: {  	[sflag:s22] =	ssyncset.done $0x0  }
0xa7: {  	s26 =	simm.s32 $0x0;
	[sflag:s22] =	ssyncadd.s32 $0xFFFFC000  }
0xa8: {  	v0 =	vld [tilespmem:s26+$0x42B0]  }
0xa9: {  	v1 =	vld [tilespmem:s26+$0x4100]  }
0xaa: {  	v2 =	vld [tilespmem:s26+$0x4110]  }
0xab: {  	v3 =	vld [tilespmem:s26+$0x4120]  }
0xac: {  	v4 =	vld [tilespmem:s26+$0x4130]  }
0xad: {  	v5 =	vld [tilespmem:s26+$0x4180];
	[tilespmem:s26+$0xC2B0] =	vst v0  }
0xae: {  	[tilespmem:s26+$0xC100] =	vst v1;
	v0 =	vld [tilespmem:s26+$0x4190]  }
0xaf: {  	[tilespmem:s26+$0xC110] =	vst v2;
	v1 =	vld [tilespmem:s26+$0x41A0]  }
0xb0: {  	[tilespmem:s26+$0xC120] =	vst v3;
	v2 =	vld [tilespmem:s26+$0x41B0]  }
0xb1: {  	[tilespmem:s26+$0xC130] =	vst v4;
	v3 =	vld [tilespmem:s26+$0x4200]  }
0xb2: {  	[tilespmem:s26+$0xC180] =	vst v5;
	v4 =	vld [tilespmem:s26+$0x4210]  }
0xb3: {  	[tilespmem:s26+$0xC190] =	vst v0;
	v0 =	vld [tilespmem:s26+$0x4220]  }
0xb4: {  	[tilespmem:s26+$0xC1A0] =	vst v1;
	v1 =	vld [tilespmem:s26+$0x4230]  }
0xb5: {  	[tilespmem:s26+$0xC1B0] =	vst v2;
	v2 =	vld [tilespmem:s26+$0x4280]  }
0xb6: {  	[tilespmem:s26+$0xC200] =	vst v3;
	v3 =	vld [tilespmem:s26+$0x4290]  }
0xb7: {  	s28 =	simm.s32 $0x200;
	s29 =	simm.s32 $0x1000;
	[tilespmem:s26+$0xC210] =	vst v4;
	v4 =	vld [tilespmem:s26+$0x42A0]  }
.LBB2_12:
0xb8: {  	p0 =	sne.s32 s29, $0xF800;
	v5 =	vld [tilespmem:s28+$0x42B0];
	[tilespmem:s26+$0xC220] =	vst v0  }
0xb9: {  	v0 =	vld [tilespmem:s28+$0x4100];
	[tilespmem:s26+$0xC230] =	vst v1  }
0xba: {  	v1 =	vld [tilespmem:s28+$0x4110];
	[tilespmem:s26+$0xC280] =	vst v2  }
0xbb: {  	v2 =	vld [tilespmem:s28+$0x4120];
	[tilespmem:s26+$0xC290] =	vst v3  }
0xbc: {  	v3 =	vld [tilespmem:s28+$0x4130];
	[tilespmem:s26+$0xC2A0] =	vst v4;
	s26 =	smov.u32 s28  }
0xbd: {  	v4 =	vld [tilespmem:s26+$0x4180];
	[tilespmem:s26+$0xC2B0] =	vst v5  }
0xbe: {  	[tilespmem:s26+$0xC100] =	vst v0;
	v0 =	vld [tilespmem:s26+$0x4190]  }
0xbf: {  	[tilespmem:s26+$0xC110] =	vst v1;
	v1 =	vld [tilespmem:s26+$0x41A0]  }
0xc0: {  	[tilespmem:s26+$0xC120] =	vst v2;
	v2 =	vld [tilespmem:s26+$0x41B0]  }
0xc1: {  	[tilespmem:s26+$0xC130] =	vst v3;
	v3 =	vld [tilespmem:s26+$0x4200]  }
0xc2: {  	[tilespmem:s26+$0xC180] =	vst v4;
	v4 =	vld [tilespmem:s26+$0x4210]  }
.Ltmp6:
0xc3: {  	[tilespmem:s26+$0xC190] =	vst v0;
	v0 =	vld [tilespmem:s26+$0x4220];
	(pc) =	sbr.rel @p0 .LBB2_12-.Ltmp6, $4  }
0xc4: {  	[tilespmem:s26+$0xC1A0] =	vst v1;
	v1 =	vld [tilespmem:s26+$0x4230]  }
0xc5: {  	[tilespmem:s26+$0xC1B0] =	vst v2;
	v2 =	vld [tilespmem:s26+$0x4280]  }
0xc6: {  	[tilespmem:s26+$0xC200] =	vst v3;
	v3 =	vld [tilespmem:s26+$0x4290]  }
0xc7: {  	s28 =	sshra.s32 s29, $0x2;
	s29 =	sadd.s32 $0x800, s29;
	[tilespmem:s26+$0xC210] =	vst v4;
	v4 =	vld [tilespmem:s26+$0x42A0]  }
0xc8: {  	v5 =	vld [tilespmem:s28+$0x42B0];
	[tilespmem:s26+$0xC220] =	vst v0  }
0xc9: {  	v0 =	vld [tilespmem:s28+$0x4100];
	[tilespmem:s26+$0xC230] =	vst v1  }
0xca: {  	v1 =	vld [tilespmem:s28+$0x4110];
	[tilespmem:s26+$0xC280] =	vst v2  }
0xcb: {  	v2 =	vld [tilespmem:s28+$0x4120];
	[tilespmem:s26+$0xC290] =	vst v3  }
0xcc: {  	v3 =	vld [tilespmem:s28+$0x4130];
	[tilespmem:s26+$0xC2A0] =	vst v4  }
0xcd: {  	v4 =	vld [tilespmem:s28+$0x4180];
	[tilespmem:s28+$0xC2B0] =	vst v5  }
0xce: {  	v54 =	vld [tilespmem:s28+$0x4190];
	[tilespmem:s28+$0xC100] =	vst v0  }
0xcf: {  	v55 =	vld [tilespmem:s28+$0x41A0];
	[tilespmem:s28+$0xC110] =	vst v1  }
0xd0: {  	v56 =	vld [tilespmem:s28+$0x41B0];
	[tilespmem:s28+$0xC120] =	vst v2  }
0xd1: {  	v57 =	vld [tilespmem:s28+$0x4200];
	[tilespmem:s28+$0xC130] =	vst v3  }
0xd2: {  	v58 =	vld [tilespmem:s28+$0x4210];
	[tilespmem:s28+$0xC180] =	vst v4  }
0xd3: {  	v59 =	vld [tilespmem:s28+$0x4220];
	[tilespmem:s28+$0xC190] =	vst v54  }
0xd4: {  	v60 =	vld [tilespmem:s28+$0x4230];
	[tilespmem:s28+$0xC1A0] =	vst v55  }
0xd5: {  	v61 =	vld [tilespmem:s28+$0x4280];
	[tilespmem:s28+$0xC1B0] =	vst v56  }
0xd6: {  	v62 =	vld [tilespmem:s28+$0x4290];
	[tilespmem:s28+$0xC200] =	vst v57  }
0xd7: {  	v63 =	vld [tilespmem:s28+$0x42A0];
	[tilespmem:s28+$0xC210] =	vst v58  }
0xd8: {  	[tilespmem:s28+$0xC220] =	vst v59  }
0xd9: {  	[tilespmem:s28+$0xC230] =	vst v60  }
0xda: {  	[tilespmem:s28+$0xC280] =	vst v61  }
0xdb: {  	[tilespmem:s28+$0xC290] =	vst v62  }
0xdc: {  	s25 =	sadd.s32 $0x1, s25;
	[tilespmem:s28+$0xC2A0] =	vst v63  }
0xdd: {  	[hbm4b:s12+s3] =	stream.linear.scatter [tilespmem:s23], [sflag:$0x6], $0x4000, $0x38;
	[tilespmem:$0x10100] =	vst v63  }
0xde: {  	p0 =	sne.s32 s25, s13;
	_ =	swait.ge [sflag:s24], $0x4000  }
.Ltmp7:
0xdf: {  	[sflag:s24] =	ssyncset.done $0x0;
	(pc) =	sbr.rel @p0 .LBB2_1-.Ltmp7, $4  }
0xe0: {  	[sflag:s24] =	ssyncadd.s32 $0xFFFFC000  }
0xe1: {  	_ =	swait.ge [sflag:s21], $0x4000  }
0xe2: {  	[sflag:s21] =	ssyncset.done $0x0  }
0xe3: {  	[sflag:s21] =	ssyncadd.s32 $0xFFFFC000  }
0xe4: {  	_ =	sfence.sel $0x180000  }
0xe5: {  	[bflag:$0x0] =	sbarrier.arrive $0xFFFF  }
0xe6: {  	p0 =	sne.s32 s0, $0x0;
	_ =	strace $0x90000047  }
0xe7: {  	s0 =	sadd.s32 @!p0 $0x100000, s1;
	[bflag:$0x2] =	sbarrier.arrive $0xFFFF  }
0xe8: {  	[sflag:s0] =	ssyncadd.tile.s32 @!p0 $0x1;
	_ =	shalt  }
.Lfunc_end2:
_tile_overlayer_lowered:
.L_overlay_start_2:
0xe9: {  	(tag) =	ssettag $0x2  }
0xea: {  	s0 =	rddreg [dreg:$0x0];
	s2 =	stileid.u32  }
0xeb: {  	s1 =	rddreg [dreg:$0x1];
	p0 =	sne.s32 s2, $0x0  }
0xec: {  	s3 =	rddreg [dreg:$0x2];
	[bflag:$0x3] =	sbarrier.arrive $0xFFFF;
	s2 =	simm.s32 @!p0 $0x1C07  }
0xed: {  	[timem:s3], [sflag:s2] =	dma.local @!p0 [hbm:s0], s1  }
0xee: {  	s0 =	simm.s32 @!p0 $0x7  }
0xef: {  	_ =	swait.ge @!p0 [sflag:s0], s1  }
0xf0: {  	s1 =	ssub.s32 @!p0 $0x0, s1;
	[sflag:s0] =	ssyncset.done @!p0 $0x0  }
0xf1: {  	[sflag:s0] =	ssyncadd.s32 @!p0 s1  }
0xf2: {  	[bflag:$0x3] =	sbarrier.arrive $0xFFFF  }
0xf3: {  	_ =	shalt  }

// kernel: sparse-core-data-format-call.cloned.1.call-start
scs
called_computation_lowered:
.L_overlay_start_0:
0x0: {  	s2 =	sld [smem:$0x3FD9]  }
0x1: {  	s3 =	sld [smem:$0x3FFE];
	_ =	sdelay $0x1  }
0x2: {  	s1 =	srdreg.scid  }
0x3: {  	s0 =	sand.u32 $0x1, s1  }
0x4: {  	s18 =	sshll.u32 s0, $0xA;
	s2 =	sadd.s32 s3, s2  }
0x5: {  	s2 =	sadd.s32 s2, s18  }
0x6: {  	[smem:$0x3FC6] =	sst s2  }
0x7: {  	_ = 	snop  }
0x8: {  	s2 =	sld [smem:$0x3FD0];
	(tm) =	ssettm $0x1  }
0x9: {  	s19 =	sld [smem:$0x3FFB];
	_ =	sdelay $0x3  }
0xa: {  	_ =	strace s19  }
0xb: {  	s3 =	sld [smem:$0x3FFC];
	_ =	sdelay $0x3  }
0xc: {  	_ =	strace s3  }
0xd: {  	s3 =	sld [smem:$0x3FFD];
	_ =	sdelay $0x3  }
0xe: {  	_ =	strace s3  }
0xf: {  	_ =	strace $0x8FFFFFFF  }
0x10: {  	s20 =	sld [smem:$0x3FDB];
	_ =	sdelay $0x1  }
0x11: {  	s4 =	simm.s32 $_scs_section_size  }
0x12: {  	s5 =	simm.s32 $_size__tile_overlayer_lowered;
	s6 =	simm.s32 $_tile_overlayer_lowered  }
0x13: {  	s23 =	simm.s32 $0x1BFF;
	s22 =	sshll.u32 s6, $0x1;
	s3 =	sadd.s32 s4, s20  }
0x14: {  	s7 =	simm.s32 $0x0;
	s21 =	sshll.u32 s5, $0x1;
	s5 =	sadd.s32 s22, s3  }
0x15: {  	[timem:s7], [sflag:s23] =	dma.local [hbm:s5], s21  }
0x16: {  	_ =	swait.ge [sflag:s23], s21  }
0x17: {  	s4 =	ssub.s32 $0x0, s21;
	[sflag:s23] =	ssyncset.done $0x0  }
0x18: {  	[sflag:s23] =	ssyncadd.s32 s4;
	_ =	sdelay $0x1  }
0x19: {  	s24 =	simm.s32 $0x1B8B  }
0x1a: {  	_ =	swait.ge [sflag:s24], $0x1  }
0x1b: {  	[sflag:s24] =	ssyncset.done $0x0  }
0x1c: {  	s26 =	simm.s32 $0x1B8E;
	s25 =	sld [smem:$0x3FFE];
	[sflag:s24] =	ssyncadd.s32 $0xFFFFFFFF  }
0x1d: {  	s27 =	simm.s32 $execute0_lowered;
	[smem:$0x3FD2] =	sst s26  }
0x1e: {  	s5 =	sshll.u32 s27, $0x1;
	_ =	strace $0x80000049;
	[dreg:$0x1] =	wrdreg $0xFFFFFFFF  }
0x1f: {  	s28 =	simm.s32 $_size_execute0_lowered;
	s3 =	sadd.s32 s3, s5;
	[dreg:$0x0] =	wrdreg $0x0  }
0x20: {  	s5 =	sshll.u32 s28, $0x1;
	[dreg:$0x2] =	wrdreg s3  }
0x21: {  	[dreg:$0x3] =	wrdreg s5  }
0x22: {  	[dreg:$0x4] =	wrdreg $0xC0  }
0x23: {  	_ =	task [dreg:s7], $0x5FFFF  }
0x24: {  	[dreg:$0x1] =	wrdreg $0xFFFFFFFF  }
0x25: {  	[dreg:$0x0] =	wrdreg $0x60  }
0x26: {  	[dreg:$0x2] =	wrdreg s25  }
0x27: {  	[dreg:$0x3] =	wrdreg s2  }
0x28: {  	[dreg:$0x4] =	wrdreg $0x9  }
0x29: {  	_ =	task.clear_ibuf [dreg:s7], $0x5FFFF;
	_ =	strace $0x90000049  }
0x2a: {  	s29 =	simm.s32 $0x9;
	_ =	strace $0x8000004B  }
0x2b: {  	_ =	swait.ge [sflag:s29], $0x1  }
0x2c: {  	[sflag:s29] =	ssyncadd.s32 $0xFFFFFFFF  }
0x2d: {  	_ =	strace $0x9000004B  }
0x2e: {  	_ =	sfence  }
0x2f: {  	s30 =	sld [smem:$0x0];
	_ =	sdelay $0x2  }
0x30: {  	s31 =	sshll.u32 s1, $0xD;
	s1 =	sshrl.u32 s1, $0x2  }
0x31: {  	s3 =	sand.u32 $0x4000, s31;
	s1 =	sadd.s32 s1, s30  }
0x32: {  	s0 =	sor.u32 s3, s0;
	s1 =	sshll.u32 s1, $0x11  }
0x33: {  	s0 =	sor.u32 s1, s0  }
0x34: {  	s0 =	sadd.s32 $0x8F2B, s0  }
0x35: {  	[sflag:s0] =	ssyncadd.remote.s32 $0x1  }
0x36: {  	_ =	sfence.sel $0xFFFF  }
0x37: {  	[dreg:$0x0] =	wrdreg $0xFFFFFFFF;
	(pc) =	sbr.abs _section_cstart, $3  }
0x38: {  	[dreg:$0x1] =	wrdreg $0xFFFFFFFF  }
0x39: {  	_ =	task.clear_ibuf [dreg:s7], $0x2FFFF;
	_ =	strace $0x9FFFFFFF  }
0x3a: {  	(tm) =	ssettm $0x7FFFFFFF  }
0x3b: {  	_ =	shalt  }
tec
execute0_lowered:
.L_overlay_start_1:
0x0: {  	(tag) =	ssettag $0x1  }
0x1: {  	s0 =	srdreg.scid  }
0x2: {  	s1 =	sshll.u32 s0, $0x4  }
0x3: {  	s0 =	stileid.u32;
	s1 =	sand.u32 $0x10, s1  }
0x4: {  	s1 =	sor.u32 s0, s1  }
0x5: {  	s6 =	rddreg [dreg:$0x0];
	s4 =	simm.s32 $0x1;
	s2 =	sshll.u32 s1, $0x7  }
0x6: {  	s7 =	simm.s32 $0x2;
	s12 =	simm.s32 $0x0;
	s1 =	ssub.s32 $0x4000, s2  }
0x7: {  	s8 =	simm.s32 $0x20000;
	s13 =	simm.s32 $0x0;
	s3 =	sand.u32 $0xF80, s1  }
0x8: {  	s9 =	simm.s32 $0x0;
	s5 =	sshrl.u32 s1, $0xC;
	p0 =	sne.s32 s3, $0x0  }
.Ltmp0:
0x9: {  	s1 =	rddreg [dreg:$0x2];
	s4 =	simm.s32 @!p0 $0x0;
	(pc) =	sbr.rel .LBB1_1-.Ltmp0, $4  }
0xa: {  	s11 =	simm.s32 $0x0;
	s3 =	rddreg [dreg:$0x1];
	s5 =	sadd.s32 s4, s5  }
0xb: {  	_ =	strace $0x8000004A;
	s4 =	simm.s32 $0x1;
	s5 =	smul.u32 $0xC8, s5  }
0xc: {  	s6 =	sadd.s32 $0x4A00, s6;
	s10 =	smov.u32 s2;
	[sflag:s4] =	ssyncpa.u1 $0x0  }
0xd: {  	p0 =	por $0x0, $0x0;
	[sflag:s7] =	ssyncpa.u1 $0x0;
	s7 =	sor.u32 $0x1, s5  }
.LBB1_4:
0xe: {  	s16 =	sshll.u32 s13, $0x3;
	s17 =	sand.u32 $0x78, s13  }
0xf: {  	s30 =	sand.u32 $0x1F800, s13;
	s12 =	sshll.u32 s12, $0x11;
	s16 =	sand.u32 $0x3C00, s16  }
0x10: {  	[tilespmem:s15+$0x810 ss:$0x81] =	vst.msk $0xffff, v2;
	s31 =	sand.u32 $0x7, s13;
	s16 =	sor.u32 s17, s16;
	s17 =	sadd.s32 s3, s30  }
0x11: {  	[tilespmem:s15+$0x1020 ss:$0x81] =	vst.msk $0xffff, v0;
	s13 =	sshll.u32 s31, $0x12;
	s12 =	sadd.s32 s12, s17;
	s16 =	sshrl.u32 s16, $0x3  }
0x12: {  	[tilespmem:s15+$0x0 ss:$0x81] =	vst.msk $0xffff, v1;
	s13 =	sor.u32 $0x400, s13;
	s12 =	sadd.s32 s16, s12  }
0x13: {  	[hbm4b:s12+s13] =	stream.strided.scatter [tilespmem:s14], [sflag:$0x2], $0x2000, s8, s13, $0x20;
	[tilespmem:$0x8080] =	vst v63  }
.LBB1_5:
0x14: {  	s14 =	sadd.s32 $0x1, s9  }
0x15: {  	s12 =	sadd.s32 $0x1000, s10;
	s16 =	smov.u32 s10;
	p2 =	sgt.s32 s14, $0xC7  }
0x16: {  	s16 =	smov.u32 @p2 s12  }
0x17: {  	s14 =	simm.s32 @p2 $0x0;
	p2 =	sgt.s32 s16, $0x3FFF  }
0x18: {  	s16 =	smov.u32 @p2 s2;
	p2 =	sne.s32 s11, s7  }
.Ltmp1:
0x19: {  	p1 =	slt.u32 s11, $0x2;
	(pc) =	sbr.rel @!p2 .LBB1_6-.Ltmp1, $4  }
0x1a: {  	s15 =	simm.s32 @!p1 $0x2  }
0x1b: {  	s13 =	smov.u32 s10;
	p0 =	por !p0, !p0;
	_ =	swait.ge @!p1 [sflag:s15], $0x2000  }
0x1c: {  	s12 =	smov.u32 s9;
	[sflag:s15] =	ssyncset.done @!p1 $0x0;
	s9 =	smov.u32 s14  }
0x1d: {  	s11 =	sadd.s32 $0x1, s11;
	[sflag:s15] =	ssyncadd.s32 @!p1 $0xFFFFE000;
	s10 =	smov.u32 s16  }
.LBB1_1:
0x1e: {  	p1 =	sge.u32 s11, s5  }
0x1f: {  	s14 =	sand.u32 @!p1 $0x1FFFFFF, s9  }
0x20: {  	s15 =	smulhi.u32 @!p1 $0x147AE15, s14;
	_ =	sdelay $0x1  }
0x21: {  	s15 =	smul.u32 @!p1 $0xC8, s15  }
0x22: {  	s16 =	sxor.u32 @!p1 $0xFFFFFFFF, s11;
	s17 =	smul.u32 @!p1 $0xC80, s10  }
0x23: {  	s31 =	sadd.s32 $0xFFFFFFFF, s11;
	s16 =	sshll.u32 @!p1 s16, $0xD;
	s14 =	ssub.s32 @!p1 s14, s15  }
0x24: {  	s15 =	sand.u32 @!p1 $0x2000, s16;
	s16 =	sadd.s32 @!p1 s6, s17;
	s14 =	sshll.u32 @!p1 s14, $0x4  }
0x25: {  	s17 =	simm.s32 @!p1 $0x6400;
	s14 =	sadd.s32 @!p1 s14, s16;
	s16 =	simm.s32 @!p1 $0x40  }
0x26: {  	[tilespmem:s15], [sflag:$0x1] =	stream.strided.gather @!p1 [hbm4b:s14+s16], $0x2000, s17, s16, $0x38;
	[tilespmem:$0x8080] =	vst v63  }
0x27: {  	p1 =	sge.u32 s31, s5  }
.Ltmp2:
0x28: {  	_ = 	snop;
	(pc) =	sbr.rel @p1 .LBB1_5-.Ltmp2, $1  }
0x29: {  	_ =	sdelay $0x3  }
0x2a: {  	s14 =	simm.s32 $0x1  }
0x2b: {  	_ =	swait.ge [sflag:s4], $0x2000;
	s14 =	simm.s32 @!p0 $0x0  }
0x2c: {  	[sflag:s4] =	ssyncset.done $0x0;
	s15 =	sshll.u32 s14, $0xD  }
0x2d: {  	[sflag:s4] =	ssyncadd.s32 $0xFFFFE000;
	s18 =	sor.u32 $0x20, s15  }
0x2e: {  	s14 =	smul.u32 $0x8100, s14;
	v3 =	vld [tilespmem:s18+$0x10]  }
0x2f: {  	s30 =	sand.u32 $0x1, s11;
	v2 =	vld [tilespmem:s18+$0xFFFFFFF0]  }
0x30: {  	s15 =	smul.u32 $0x8100, s30;
	s14 =	sshrl.u32 s14, $0x2;
	v0 =	vld [tilespmem:s18+$0x0]  }
0x31: {  	v1 =	vld [tilespmem:s18+$0xFFFFFFE0];
	s16 =	sor.u32 $0x4000, s14  }
0x32: {  	s31 =	sshrl.u32 s15, $0x2;
	s15 =	sadd.s32 $0x0, s16  }
0x33: {  	s17 =	simm.s32 $0x4;
	s18 =	sadd.s32 $0x40, s18;
	s14 =	sor.u32 $0x4000, s31;
	[tilespmem:s15+$0x1830 ss:$0x81] =	vst.msk $0xffff, v3  }
.LBB1_3:
0x34: {  	v3 =	vld [tilespmem:s18+$0x10];
	p1 =	sne.s32 s17, $0x1FC;
	[tilespmem:s15+$0x810 ss:$0x81] =	vst.msk $0xffff, v2;
	s19 =	smov.u32 s17;
	s17 =	sadd.s32 $0x4, s17  }
.Ltmp3:
0x35: {  	v2 =	vld [tilespmem:s18+$0xFFFFFFF0];
	[tilespmem:s15+$0x1020 ss:$0x81] =	vst.msk $0xffff, v0;
	(pc) =	sbr.rel @p1 .LBB1_3-.Ltmp3, $4  }
0x36: {  	v0 =	vld [tilespmem:s18+$0x0];
	[tilespmem:s15+$0x0 ss:$0x81] =	vst.msk $0xffff, v1  }
0x37: {  	s15 =	sshra.s32 s19, $0x2;
	v1 =	vld [tilespmem:s18+$0xFFFFFFE0]  }
0x38: {  	s15 =	sadd.s32 s15, s16  }
0x39: {  	s18 =	sadd.s32 $0x40, s18;
	[tilespmem:s15+$0x1830 ss:$0x81] =	vst.msk $0xffff, v3  }
.Ltmp4:
0x3a: {  	_ = 	snop;
	(pc) =	sbr.rel .LBB1_4-.Ltmp4, $1  }
0x3b: {  	_ =	sdelay $0x3  }
.LBB1_6:
0x3c: {  	_ =	sfence.sel $0x180000  }
0x3d: {  	s2 =	simm.s32 $0x1;
	[bflag:$0x0] =	sbarrier.arrive $0xFFFF  }
0x3e: {  	s31 =	simm.s32 $0x2;
	[sflag:s2] =	ssyncpa.u1 $0x1  }
0x3f: {  	[sflag:s31] =	ssyncpa.u1 $0x1  }
0x40: {  	p0 =	sne.s32 s0, $0x0;
	_ =	strace $0x9000004A  }
0x41: {  	s0 =	sadd.s32 @!p0 $0x100000, s1;
	[bflag:$0x2] =	sbarrier.arrive $0xFFFF  }
0x42: {  	[sflag:s0] =	ssyncadd.tile.s32 @!p0 $0x1;
	_ =	shalt  }
.Lfunc_end1:
_tile_overlayer_lowered:
.L_overlay_start_2:
0x43: {  	(tag) =	ssettag $0x2  }
0x44: {  	s0 =	rddreg [dreg:$0x0];
	s2 =	stileid.u32  }
0x45: {  	s1 =	rddreg [dreg:$0x1];
	p0 =	sne.s32 s2, $0x0  }
0x46: {  	s3 =	rddreg [dreg:$0x2];
	[bflag:$0x3] =	sbarrier.arrive $0xFFFF;
	s2 =	simm.s32 @!p0 $0x1C01  }
0x47: {  	[timem:s3], [sflag:s2] =	dma.local @!p0 [hbm:s0], s1  }
0x48: {  	s0 =	simm.s32 @!p0 $0x1  }
0x49: {  	_ =	swait.ge @!p0 [sflag:s0], s1  }
0x4a: {  	s1 =	ssub.s32 @!p0 $0x0, s1;
	[sflag:s0] =	ssyncset.done @!p0 $0x0  }
0x4b: {  	[sflag:s0] =	ssyncadd.s32 @!p0 s1  }
0x4c: {  	[bflag:$0x3] =	sbarrier.arrive $0xFFFF  }
0x4d: {  	_ =	shalt  }

</sc_bundles>
